<compile_context>
chip_gen: v7x
topology: tpu7x:2x2x1
jax: 0.10.2.dev20260603
libtpu: 0.0.44.dev20260713+nightly
codegen_flags: <defaults>
</compile_context>

<pallas_src>
import functools

import jax
import jax.numpy as jnp
from jax import lax
from jax.experimental import pallas as pl
from jax.experimental.pallas import tpu as pltpu
from jax.experimental.pallas import tpu_sc as plsc

N_NODES = 10000
D = 128
DQ = D // 4
DH = D // 2
N_EDGES = 320000

NC = 2
NS = 16
CH = 128

E_TOT = N_EDGES + N_NODES
NCH = -(-E_TOT // (NS * CH))
NCH = NCH + (NCH % 2)
E_PAD = NS * NCH * CH
N_PAD = -(-N_NODES // (NS * 8)) * NS * 8
ROWS_PT = N_PAD // NS

_sc_mesh = plsc.VectorSubcoreMesh(core_axis_name="c", subcore_axis_name="s")


def _deg_body(dsts_hbm, zeros_hbm, ones_hbm, deg_hbm, dstv, onesv, acc):
    c = lax.axis_index("c")
    s = lax.axis_index("s")
    pltpu.sync_copy(zeros_hbm, acc.at[pl.ds(s * ROWS_PT, ROWS_PT)])
    pltpu.sync_copy(dsts_hbm.at[s], dstv)
    pltpu.sync_copy(ones_hbm, onesv)
    plsc.subcore_barrier()

    base = c * (NCH // 2)

    def body(i, carry):
        pltpu.sync_copy(onesv, acc.at[dstv.at[base + i]], add=True)
        return carry

    lax.fori_loop(0, NCH // 2, body, 0, unroll=False)
    plsc.subcore_barrier()
    pltpu.sync_copy(acc.at[pl.ds(s * ROWS_PT, ROWS_PT)],
                    deg_hbm.at[c, pl.ds(s * ROWS_PT, ROWS_PT)])


def _make_deg(interpret=False):
    return pl.kernel(
        _deg_body,
        out_type=jax.ShapeDtypeStruct((NC, N_PAD, 16), jnp.float32),
        mesh=_sc_mesh,
        scratch_types=[
            pltpu.VMEM((NCH, CH), jnp.int32),
            pltpu.VMEM((CH, 16), jnp.float32),
            pltpu.VMEM_SHARED((N_PAD, 16), jnp.float32),
        ],
        compiler_params=pltpu.CompilerParams(use_tc_tiling_on_sc=False),
        interpret=interpret,
    )


_deg_kernel = _make_deg()


def _agg_body(xs_hbm, srcs_hbm, dsts_hbm, zeros_hbm, out_hbm,
              srcv, dstv, rows0, rows1, acc, sem0, sem1):
    c = lax.axis_index("c")
    s = lax.axis_index("s")
    pltpu.sync_copy(srcs_hbm.at[s], srcv)
    pltpu.sync_copy(dsts_hbm.at[s], dstv)

    if True:
        tbl = xs_hbm.at[c]
        pltpu.sync_copy(zeros_hbm, acc.at[pl.ds(s * ROWS_PT, ROWS_PT)])
        plsc.subcore_barrier()

        pltpu.async_copy(tbl.at[srcv.at[0]], rows0, sem0)
        pltpu.async_copy(tbl.at[srcv.at[1]], rows1, sem1)

        def body(j, carry):
            i0 = 2 * j
            i1 = i0 + 1
            pltpu.make_async_copy(tbl.at[srcv.at[i0]], rows0, sem0).wait()
            pltpu.sync_copy(rows0, acc.at[dstv.at[i0]], add=True)
            pltpu.async_copy(tbl.at[srcv.at[jnp.minimum(i0 + 2, NCH - 1)]],
                             rows0, sem0)
            pltpu.make_async_copy(tbl.at[srcv.at[i1]], rows1, sem1).wait()
            pltpu.sync_copy(rows1, acc.at[dstv.at[i1]], add=True)
            pltpu.async_copy(tbl.at[srcv.at[jnp.minimum(i1 + 2, NCH - 1)]],
                             rows1, sem1)
            return carry

        lax.fori_loop(0, NCH // 2, body, 0, unroll=False)
        pltpu.make_async_copy(tbl.at[srcv.at[NCH - 1]], rows0, sem0).wait()
        pltpu.make_async_copy(tbl.at[srcv.at[NCH - 1]], rows1, sem1).wait()
        plsc.subcore_barrier()
        pltpu.sync_copy(acc.at[pl.ds(s * ROWS_PT, ROWS_PT)],
                        out_hbm.at[c, pl.ds(s * ROWS_PT, ROWS_PT)])


def _make_agg(interpret=False):
    return pl.kernel(
        _agg_body,
        out_type=jax.ShapeDtypeStruct((NC, N_PAD, DH), jnp.float32),
        mesh=_sc_mesh,
        scratch_types=[
            pltpu.VMEM((NCH, CH), jnp.int32),
            pltpu.VMEM((NCH, CH), jnp.int32),
            pltpu.VMEM((CH, DH), jnp.float32),
            pltpu.VMEM((CH, DH), jnp.float32),
            pltpu.VMEM_SHARED((N_PAD, DH), jnp.float32),
            pltpu.SemaphoreType.DMA,
            pltpu.SemaphoreType.DMA,
        ],
        compiler_params=pltpu.CompilerParams(use_tc_tiling_on_sc=False,
                                             internal_scratch_in_bytes=131072),
        interpret=interpret,
    )


_agg_kernel = _make_agg()


_BLK = 1000


def _tc_scale_body(deg_ref, x_ref, xs_ref, dinv_ref):
    deg = deg_ref[0] + deg_ref[1]
    d0 = deg[:, 0:1]
    dinv = jnp.where(d0 > 0, lax.rsqrt(jnp.maximum(d0, 1e-12)), 0.0)
    dinvb = jnp.broadcast_to(dinv, (_BLK, D))
    dinv_ref[...] = dinvb
    xq = x_ref[...] * dinvb
    for h in range(2):
        xs_ref[h] = xq[:, h * DH:(h + 1) * DH]


def _tc_scale(deg_p, x):
    return pl.pallas_call(
        _tc_scale_body,
        grid=(N_NODES // _BLK,),
        in_specs=[
            pl.BlockSpec((NC, _BLK, 16), lambda i: (0, i, 0)),
            pl.BlockSpec((_BLK, D), lambda i: (i, 0)),
        ],
        out_specs=[
            pl.BlockSpec((NC, _BLK, DH), lambda i: (0, i, 0)),
            pl.BlockSpec((_BLK, D), lambda i: (i, 0)),
        ],
        out_shape=[
            jax.ShapeDtypeStruct((NC, N_NODES, DH), jnp.float32),
            jax.ShapeDtypeStruct((N_NODES, D), jnp.float32),
        ],
    )(deg_p, x)


def _tc_mm_body(last, t_ref, dinv_ref, w_ref, b_ref, out_ref):
    dv = dinv_ref[...]
    z = jnp.concatenate([t_ref[0], t_ref[1]], axis=1) * dv
    h = jnp.dot(z, w_ref[...], preferred_element_type=jnp.float32) + b_ref[...]
    if last:
        out_ref[...] = h
    else:
        h = jnp.maximum(h, 0.0) * dv
        for q in range(2):
            out_ref[q] = h[:, q * DH:(q + 1) * DH]


def _tc_mm(t_p, dinv_b, w, b, last):
    if last:
        out_spec = pl.BlockSpec((_BLK, D), lambda i: (i, 0))
        out_shape = jax.ShapeDtypeStruct((N_NODES, D), jnp.float32)
    else:
        out_spec = pl.BlockSpec((NC, _BLK, DH), lambda i: (0, i, 0))
        out_shape = jax.ShapeDtypeStruct((NC, N_NODES, DH), jnp.float32)
    return pl.pallas_call(
        functools.partial(_tc_mm_body, last),
        grid=(N_NODES // _BLK,),
        in_specs=[
            pl.BlockSpec((NC, _BLK, DH), lambda i: (0, i, 0)),
            pl.BlockSpec((_BLK, D), lambda i: (i, 0)),
            pl.BlockSpec((D, D), lambda i: (0, 0)),
            pl.BlockSpec((1, D), lambda i: (0, 0)),
        ],
        out_specs=out_spec,
        out_shape=out_shape,
    )(t_p, dinv_b, w, b)


def _edge_blocks(edge_index):
    loop = jnp.arange(N_NODES, dtype=jnp.int32)
    src = jnp.concatenate([edge_index[0].astype(jnp.int32), loop])
    dst = jnp.concatenate([edge_index[1].astype(jnp.int32), loop])
    npad = E_PAD - E_TOT
    src_p = jnp.concatenate([src, jnp.zeros((npad,), jnp.int32)])
    dst_p = jnp.concatenate([dst, jnp.full((npad,), N_NODES, jnp.int32)])
    return src_p.reshape(NS, NCH, CH), dst_p.reshape(NS, NCH, CH)


def kernel(x, edge_index, W1, b1, W2, b2):
    srcs, dsts = _edge_blocks(edge_index)

    zeros_q = jnp.zeros((ROWS_PT, DH), jnp.float32)
    zeros_deg = jnp.zeros((ROWS_PT, 16), jnp.float32)
    ones_deg = jnp.ones((CH, 16), jnp.float32)

    deg_p = _deg_kernel(dsts, zeros_deg, ones_deg)
    xs, dinv_b = _tc_scale(deg_p, x)

    t1 = _agg_kernel(xs, srcs, dsts, zeros_q)
    hs = _tc_mm(t1, dinv_b, W1, b1.reshape(1, D), False)

    t2 = _agg_kernel(hs, srcs, dsts, zeros_q)
    out = _tc_mm(t2, dinv_b, W2, b2.reshape(1, D), True)
    return out

# --- scband reference (transcript-rebuilt; emitter-appended) ---
"""Pipeline reference for scband-gcn-47158740910498 (READ-ONLY COPY).

The authoritative reference and input builder live on the scoring server;
editing this copy changes nothing except your own understanding.
"""

import jax, jax.numpy as jnp
import numpy as np

N_NODES = 10000
D_IN = 128
D_HID = 128
D_OUT = 128
N_EDGES = 320000


def setup_inputs(seed: int = 0) -> dict:
    key = jax.random.key(seed)
    k1, k2, k3, k4, k5, k6 = jax.random.split(key, 6)
    x = jax.random.normal(k1, (N_NODES, D_IN), dtype=jnp.float32)
    edge_index = jax.random.randint(k2, (2, N_EDGES), 0, N_NODES, dtype=jnp.int64)
    # Glorot-style init for GCNConv weights, zero bias (as in PyG defaults)
    s1 = (6.0 / (D_IN + D_HID)) ** 0.5
    W1 = jax.random.uniform(k3, (D_IN, D_HID), dtype=jnp.float32, minval=-s1, maxval=s1)
    b1 = jnp.zeros((D_HID,), dtype=jnp.float32)
    s2 = (6.0 / (D_HID + D_OUT)) ** 0.5
    W2 = jax.random.uniform(k4, (D_HID, D_OUT), dtype=jnp.float32, minval=-s2, maxval=s2)
    b2 = jnp.zeros((D_OUT,), dtype=jnp.float32)
    return {"x": x, "edge_index": edge_index, "W1": W1, "b1": b1, "W2": W2, "b2": b2}


def _gcn_conv(x, src, dst, W, b, n_nodes):
    # x already includes self-loop-augmented src/dst
    h = x @ W
    deg = jnp.zeros((n_nodes,), dtype=h.dtype).at[dst].add(1.0)
    dinv = jnp.where(deg > 0, jax.lax.rsqrt(jnp.maximum(deg, 1e-12)), 0.0)
    norm = dinv[src] * dinv[dst]
    msg = h[src] * norm[:, None]
    out = jnp.zeros((n_nodes, h.shape[1]), dtype=h.dtype).at[dst].add(msg)
    return out + b


def reference(x, edge_index, W1, b1, W2, b2):
    n = x.shape[0]
    loop = jnp.arange(n, dtype=edge_index.dtype)
    src = jnp.concatenate([edge_index[0], loop])
    dst = jnp.concatenate([edge_index[1], loop])
    h = _gcn_conv(x, src, dst, W1, b1, n)
    h = jax.nn.relu(h)
    h = _gcn_conv(h, src, dst, W2, b2, n)
    return h

if __name__ == "__main__":
    import jax
    _d = setup_inputs()
    print(jax.jit(kernel)(*tuple(_d.values())))

</pallas_src>

<mosaic_0001>
#map = affine_map<(d0, d1) -> (0, 0, 0)>
#map1 = affine_map<(d0, d1) -> (0, 0)>
module attributes {stable_mosaic.version = 14 : i64} {
  func.func @_deg_body(%arg0: i32, %arg1: i32, %arg2: memref<16x162x128xi32, #tpu.memory_space<hbm>>, %arg3: memref<632x16xf32, #tpu.memory_space<hbm>>, %arg4: memref<128x16xf32, #tpu.memory_space<hbm>>, %arg5: memref<2x10112x16xf32, #tpu.memory_space<hbm>>, %arg6: memref<162x128xi32, #tpu.memory_space<vmem>>, %arg7: memref<128x16xf32, #tpu.memory_space<vmem>>, %arg8: memref<10112x16xf32, #tpu.memory_space<vmem_shared>>) attributes {dimension_semantics = [#tpu.dimension_semantics<core_parallel>, #tpu.dimension_semantics<subcore_parallel>], iteration_bounds = array<i64: 2, 16>, scalar_prefetch = 0 : i64, scratch_operands = 3 : i64, tpu.core_type = #tpu.core_type<sc_vector_subcore>, window_params = [{transform_indices = #map}, {transform_indices = #map1}, {transform_indices = #map1}, {transform_indices = #map}]} {
    %mul3A = arith.constant 632 : i32
    %mul3A_0 = arith.muli %arg1, %mul3A : i32
    "tpu.region"() ({
      %run_scoped3A = tpu.sem_alloc : memref<!tpu.dma_semaphore, #tpu.memory_space<semaphore_mem>>
      %dma_start3A = arith.constant 0 : i32
      %dma_start3A_13 = tpu.memref_slice %arg8[%mul3A_0, %dma_start3A] : memref<10112x16xf32, #tpu.memory_space<vmem_shared>> -> memref<632x16xf32, #tpu.memory_space<vmem_shared>>
      tpu.enqueue_dma source(%arg3 : memref<632x16xf32, #tpu.memory_space<hbm>>) target(%dma_start3A_13 : memref<632x16xf32, #tpu.memory_space<vmem_shared>>) target_semaphore(%run_scoped3A : memref<!tpu.dma_semaphore, #tpu.memory_space<semaphore_mem>>)
      %dma_wait3A = arith.constant 0 : i32
      %dma_wait3A_14 = tpu.memref_slice %arg8[%mul3A_0, %dma_wait3A] : memref<10112x16xf32, #tpu.memory_space<vmem_shared>> -> memref<632x16xf32, #tpu.memory_space<vmem_shared>>
      tpu.wait_dma2 semaphore(%run_scoped3A : memref<!tpu.dma_semaphore, #tpu.memory_space<semaphore_mem>>) src(%arg3 : memref<632x16xf32, #tpu.memory_space<hbm>>) dst(%dma_wait3A_14 : memref<632x16xf32, #tpu.memory_space<vmem_shared>>)
      tpu.yield
    }) : () -> ()
    "tpu.region"() ({
      %run_scoped3A = tpu.sem_alloc : memref<!tpu.dma_semaphore, #tpu.memory_space<semaphore_mem>>
      %dma_start3A = arith.constant 0 : i32
      %dma_start3A_13 = arith.constant 0 : i32
      %dma_start3A_14 = tpu.memref_slice %arg2[%arg1, %dma_start3A, %dma_start3A_13] : memref<16x162x128xi32, #tpu.memory_space<hbm>> -> memref<1x162x128xi32, #tpu.memory_space<hbm>>
      %dma_start3A_15 = tpu.memref_squeeze %dma_start3A_14 : memref<1x162x128xi32, #tpu.memory_space<hbm>> -> memref<162x128xi32, #tpu.memory_space<hbm>>
      %dma_start3A_16 = arith.constant 0 : i32
      %dma_start3A_17 = arith.constant 0 : i32
      %dma_start3A_18 = tpu.memref_slice %arg2[%arg1, %dma_start3A_16, %dma_start3A_17] : memref<16x162x128xi32, #tpu.memory_space<hbm>> -> memref<1x162x128xi32, #tpu.memory_space<hbm>>
      %dma_start3A_19 = tpu.memref_squeeze %dma_start3A_18 : memref<1x162x128xi32, #tpu.memory_space<hbm>> -> memref<162x128xi32, #tpu.memory_space<hbm>>
      tpu.enqueue_dma source(%dma_start3A_19 : memref<162x128xi32, #tpu.memory_space<hbm>>) target(%arg6 : memref<162x128xi32, #tpu.memory_space<vmem>>) target_semaphore(%run_scoped3A : memref<!tpu.dma_semaphore, #tpu.memory_space<semaphore_mem>>)
      %dma_wait3A = arith.constant 0 : i32
      %dma_wait3A_20 = arith.constant 0 : i32
      %dma_wait3A_21 = tpu.memref_slice %arg2[%arg1, %dma_wait3A, %dma_wait3A_20] : memref<16x162x128xi32, #tpu.memory_space<hbm>> -> memref<1x162x128xi32, #tpu.memory_space<hbm>>
      %dma_wait3A_22 = tpu.memref_squeeze %dma_wait3A_21 : memref<1x162x128xi32, #tpu.memory_space<hbm>> -> memref<162x128xi32, #tpu.memory_space<hbm>>
      %dma_wait3A_23 = arith.constant 0 : i32
      %dma_wait3A_24 = arith.constant 0 : i32
      %dma_wait3A_25 = tpu.memref_slice %arg2[%arg1, %dma_wait3A_23, %dma_wait3A_24] : memref<16x162x128xi32, #tpu.memory_space<hbm>> -> memref<1x162x128xi32, #tpu.memory_space<hbm>>
      %dma_wait3A_26 = tpu.memref_squeeze %dma_wait3A_25 : memref<1x162x128xi32, #tpu.memory_space<hbm>> -> memref<162x128xi32, #tpu.memory_space<hbm>>
      tpu.wait_dma2 semaphore(%run_scoped3A : memref<!tpu.dma_semaphore, #tpu.memory_space<semaphore_mem>>) src(%dma_wait3A_26 : memref<162x128xi32, #tpu.memory_space<hbm>>) dst(%arg6 : memref<162x128xi32, #tpu.memory_space<vmem>>)
      tpu.yield
    }) : () -> ()
    "tpu.region"() ({
      %run_scoped3A = tpu.sem_alloc : memref<!tpu.dma_semaphore, #tpu.memory_space<semaphore_mem>>
      tpu.enqueue_dma source(%arg4 : memref<128x16xf32, #tpu.memory_space<hbm>>) target(%arg7 : memref<128x16xf32, #tpu.memory_space<vmem>>) target_semaphore(%run_scoped3A : memref<!tpu.dma_semaphore, #tpu.memory_space<semaphore_mem>>)
      tpu.wait_dma2 semaphore(%run_scoped3A : memref<!tpu.dma_semaphore, #tpu.memory_space<semaphore_mem>>) src(%arg4 : memref<128x16xf32, #tpu.memory_space<hbm>>) dst(%arg7 : memref<128x16xf32, #tpu.memory_space<vmem>>)
      tpu.yield
    }) : () -> ()
    %barrier3A = arith.constant 0 : index
    tpu.barrier barrier_id(%barrier3A)
    %mul3A_1 = arith.constant 81 : i32
    %mul3A_2 = arith.muli %arg0, %mul3A_1 : i32
    %scan3A = arith.constant 0 : i32
    %scan3A_3 = arith.constant 0 : i32
    %scan3A_4 = arith.constant 81 : i32
    %scan3A_5 = arith.addi %scan3A_3, %scan3A_4 : i32
    %scan3A_6 = arith.constant 1 : i32
    scf.for %scan3A_13 = %scan3A_3 to %scan3A_5 step %scan3A_6  : i32 {
      %add3A = arith.addi %mul3A_2, %scan3A_13 : i32
      "tpu.region"() ({
        %run_scoped3A = tpu.sem_alloc : memref<!tpu.dma_semaphore, #tpu.memory_space<semaphore_mem>>
        %dma_start3A = arith.constant 0 : i32
        %dma_start3A_14 = tpu.memref_slice %arg6[%add3A, %dma_start3A] : memref<162x128xi32, #tpu.memory_space<vmem>> -> memref<1x128xi32, #tpu.memory_space<vmem>>
        %dma_start3A_15 = tpu.memref_squeeze %dma_start3A_14 : memref<1x128xi32, #tpu.memory_space<vmem>> -> memref<128xi32, #tpu.memory_space<vmem>>
        %dma_start3A_16 = arith.constant 0 : i32
        %dma_start3A_17 = arith.constant 0 : i32
        %dma_start3A_18 = tpu.memref_slice %arg8[%dma_start3A_16, %dma_start3A_17] : memref<10112x16xf32, #tpu.memory_space<vmem_shared>> -> memref<10112x16xf32, #tpu.memory_space<vmem_shared>>
        tpu.enqueue_indirect_dma source(%arg7 : memref<128x16xf32, #tpu.memory_space<vmem>>) target(%dma_start3A_18 : memref<10112x16xf32, #tpu.memory_space<vmem_shared>>) offsets(%dma_start3A_15 : memref<128xi32, #tpu.memory_space<vmem>>) semaphore(%run_scoped3A : memref<!tpu.dma_semaphore, #tpu.memory_space<semaphore_mem>>) {add = true}
        %dma_wait3A = arith.constant 0 : i32
        %dma_wait3A_19 = tpu.memref_slice %arg6[%add3A, %dma_wait3A] : memref<162x128xi32, #tpu.memory_space<vmem>> -> memref<1x128xi32, #tpu.memory_space<vmem>>
        %dma_wait3A_20 = tpu.memref_squeeze %dma_wait3A_19 : memref<1x128xi32, #tpu.memory_space<vmem>> -> memref<128xi32, #tpu.memory_space<vmem>>
        %dma_wait3A_21 = arith.constant 0 : i32
        %dma_wait3A_22 = arith.constant 0 : i32
        %dma_wait3A_23 = tpu.memref_slice %arg8[%dma_wait3A_21, %dma_wait3A_22] : memref<10112x16xf32, #tpu.memory_space<vmem_shared>> -> memref<10112x16xf32, #tpu.memory_space<vmem_shared>>
        tpu.wait_indirect_dma semaphore(%run_scoped3A : memref<!tpu.dma_semaphore, #tpu.memory_space<semaphore_mem>>) src(%arg7 : memref<128x16xf32, #tpu.memory_space<vmem>>) dst(%dma_wait3A_23 : memref<10112x16xf32, #tpu.memory_space<vmem_shared>>)
        tpu.yield
      }) : () -> ()
    }
    %scan3A_7 = arith.constant 81 : i32
    %barrier3A_8 = arith.constant 0 : index
    tpu.barrier barrier_id(%barrier3A_8)
    %mul3A_9 = arith.constant 632 : i32
    %mul3A_10 = arith.muli %arg1, %mul3A_9 : i32
    %mul3A_11 = arith.constant 632 : i32
    %mul3A_12 = arith.muli %arg1, %mul3A_11 : i32
    "tpu.region"() ({
      %run_scoped3A = tpu.sem_alloc : memref<!tpu.dma_semaphore, #tpu.memory_space<semaphore_mem>>
      %dma_start3A = arith.constant 0 : i32
      %dma_start3A_13 = tpu.memref_slice %arg5[%arg0, %mul3A_12, %dma_start3A] : memref<2x10112x16xf32, #tpu.memory_space<hbm>> -> memref<1x632x16xf32, #tpu.memory_space<hbm>>
      %dma_start3A_14 = tpu.memref_squeeze %dma_start3A_13 : memref<1x632x16xf32, #tpu.memory_space<hbm>> -> memref<632x16xf32, #tpu.memory_space<hbm>>
      %dma_start3A_15 = arith.constant 0 : i32
      %dma_start3A_16 = tpu.memref_slice %arg8[%mul3A_10, %dma_start3A_15] : memref<10112x16xf32, #tpu.memory_space<vmem_shared>> -> memref<632x16xf32, #tpu.memory_space<vmem_shared>>
      tpu.enqueue_dma source(%dma_start3A_16 : memref<632x16xf32, #tpu.memory_space<vmem_shared>>) target(%dma_start3A_14 : memref<632x16xf32, #tpu.memory_space<hbm>>) target_semaphore(%run_scoped3A : memref<!tpu.dma_semaphore, #tpu.memory_space<semaphore_mem>>)
      %dma_wait3A = arith.constant 0 : i32
      %dma_wait3A_17 = tpu.memref_slice %arg5[%arg0, %mul3A_12, %dma_wait3A] : memref<2x10112x16xf32, #tpu.memory_space<hbm>> -> memref<1x632x16xf32, #tpu.memory_space<hbm>>
      %dma_wait3A_18 = tpu.memref_squeeze %dma_wait3A_17 : memref<1x632x16xf32, #tpu.memory_space<hbm>> -> memref<632x16xf32, #tpu.memory_space<hbm>>
      %dma_wait3A_19 = arith.constant 0 : i32
      %dma_wait3A_20 = tpu.memref_slice %arg8[%mul3A_10, %dma_wait3A_19] : memref<10112x16xf32, #tpu.memory_space<vmem_shared>> -> memref<632x16xf32, #tpu.memory_space<vmem_shared>>
      tpu.wait_dma2 semaphore(%run_scoped3A : memref<!tpu.dma_semaphore, #tpu.memory_space<semaphore_mem>>) src(%dma_wait3A_20 : memref<632x16xf32, #tpu.memory_space<vmem_shared>>) dst(%dma_wait3A_18 : memref<632x16xf32, #tpu.memory_space<hbm>>)
      tpu.yield
    }) : () -> ()
    return
  }
}

#map = affine_map<(d0, d1) -> (0, 0, 0)>
#map1 = affine_map<(d0, d1) -> (0, 0)>
module attributes {stable_mosaic.version = 14 : i64} {
  func.func @_agg_body(%arg0: i32, %arg1: i32, %arg2: memref<2x10000x64xf32, #tpu.memory_space<hbm>>, %arg3: memref<16x162x128xi32, #tpu.memory_space<hbm>>, %arg4: memref<16x162x128xi32, #tpu.memory_space<hbm>>, %arg5: memref<632x64xf32, #tpu.memory_space<hbm>>, %arg6: memref<2x10112x64xf32, #tpu.memory_space<hbm>>, %arg7: memref<162x128xi32, #tpu.memory_space<vmem>>, %arg8: memref<162x128xi32, #tpu.memory_space<vmem>>, %arg9: memref<128x64xf32, #tpu.memory_space<vmem>>, %arg10: memref<128x64xf32, #tpu.memory_space<vmem>>, %arg11: memref<10112x64xf32, #tpu.memory_space<vmem_shared>>, %arg12: memref<!tpu.dma_semaphore, #tpu.memory_space<semaphore_mem>>, %arg13: memref<!tpu.dma_semaphore, #tpu.memory_space<semaphore_mem>>) attributes {dimension_semantics = [#tpu.dimension_semantics<core_parallel>, #tpu.dimension_semantics<subcore_parallel>], iteration_bounds = array<i64: 2, 16>, scalar_prefetch = 0 : i64, scratch_operands = 7 : i64, tpu.core_type = #tpu.core_type<sc_vector_subcore>, window_params = [{transform_indices = #map}, {transform_indices = #map}, {transform_indices = #map}, {transform_indices = #map1}, {transform_indices = #map}]} {
    "tpu.region"() ({
      %run_scoped3A = tpu.sem_alloc : memref<!tpu.dma_semaphore, #tpu.memory_space<semaphore_mem>>
      %dma_start3A_53 = arith.constant 0 : i32
      %dma_start3A_54 = arith.constant 0 : i32
      %dma_start3A_55 = tpu.memref_slice %arg3[%arg1, %dma_start3A_53, %dma_start3A_54] : memref<16x162x128xi32, #tpu.memory_space<hbm>> -> memref<1x162x128xi32, #tpu.memory_space<hbm>>
      %dma_start3A_56 = tpu.memref_squeeze %dma_start3A_55 : memref<1x162x128xi32, #tpu.memory_space<hbm>> -> memref<162x128xi32, #tpu.memory_space<hbm>>
      %dma_start3A_57 = arith.constant 0 : i32
      %dma_start3A_58 = arith.constant 0 : i32
      %dma_start3A_59 = tpu.memref_slice %arg3[%arg1, %dma_start3A_57, %dma_start3A_58] : memref<16x162x128xi32, #tpu.memory_space<hbm>> -> memref<1x162x128xi32, #tpu.memory_space<hbm>>
      %dma_start3A_60 = tpu.memref_squeeze %dma_start3A_59 : memref<1x162x128xi32, #tpu.memory_space<hbm>> -> memref<162x128xi32, #tpu.memory_space<hbm>>
      tpu.enqueue_dma source(%dma_start3A_60 : memref<162x128xi32, #tpu.memory_space<hbm>>) target(%arg7 : memref<162x128xi32, #tpu.memory_space<vmem>>) target_semaphore(%run_scoped3A : memref<!tpu.dma_semaphore, #tpu.memory_space<semaphore_mem>>)
      %dma_wait3A_61 = arith.constant 0 : i32
      %dma_wait3A_62 = arith.constant 0 : i32
      %dma_wait3A_63 = tpu.memref_slice %arg3[%arg1, %dma_wait3A_61, %dma_wait3A_62] : memref<16x162x128xi32, #tpu.memory_space<hbm>> -> memref<1x162x128xi32, #tpu.memory_space<hbm>>
      %dma_wait3A_64 = tpu.memref_squeeze %dma_wait3A_63 : memref<1x162x128xi32, #tpu.memory_space<hbm>> -> memref<162x128xi32, #tpu.memory_space<hbm>>
      %dma_wait3A_65 = arith.constant 0 : i32
      %dma_wait3A_66 = arith.constant 0 : i32
      %dma_wait3A_67 = tpu.memref_slice %arg3[%arg1, %dma_wait3A_65, %dma_wait3A_66] : memref<16x162x128xi32, #tpu.memory_space<hbm>> -> memref<1x162x128xi32, #tpu.memory_space<hbm>>
      %dma_wait3A_68 = tpu.memref_squeeze %dma_wait3A_67 : memref<1x162x128xi32, #tpu.memory_space<hbm>> -> memref<162x128xi32, #tpu.memory_space<hbm>>
      tpu.wait_dma2 semaphore(%run_scoped3A : memref<!tpu.dma_semaphore, #tpu.memory_space<semaphore_mem>>) src(%dma_wait3A_68 : memref<162x128xi32, #tpu.memory_space<hbm>>) dst(%arg7 : memref<162x128xi32, #tpu.memory_space<vmem>>)
      tpu.yield
    }) : () -> ()
    "tpu.region"() ({
      %run_scoped3A = tpu.sem_alloc : memref<!tpu.dma_semaphore, #tpu.memory_space<semaphore_mem>>
      %dma_start3A_53 = arith.constant 0 : i32
      %dma_start3A_54 = arith.constant 0 : i32
      %dma_start3A_55 = tpu.memref_slice %arg4[%arg1, %dma_start3A_53, %dma_start3A_54] : memref<16x162x128xi32, #tpu.memory_space<hbm>> -> memref<1x162x128xi32, #tpu.memory_space<hbm>>
      %dma_start3A_56 = tpu.memref_squeeze %dma_start3A_55 : memref<1x162x128xi32, #tpu.memory_space<hbm>> -> memref<162x128xi32, #tpu.memory_space<hbm>>
      %dma_start3A_57 = arith.constant 0 : i32
      %dma_start3A_58 = arith.constant 0 : i32
      %dma_start3A_59 = tpu.memref_slice %arg4[%arg1, %dma_start3A_57, %dma_start3A_58] : memref<16x162x128xi32, #tpu.memory_space<hbm>> -> memref<1x162x128xi32, #tpu.memory_space<hbm>>
      %dma_start3A_60 = tpu.memref_squeeze %dma_start3A_59 : memref<1x162x128xi32, #tpu.memory_space<hbm>> -> memref<162x128xi32, #tpu.memory_space<hbm>>
      tpu.enqueue_dma source(%dma_start3A_60 : memref<162x128xi32, #tpu.memory_space<hbm>>) target(%arg8 : memref<162x128xi32, #tpu.memory_space<vmem>>) target_semaphore(%run_scoped3A : memref<!tpu.dma_semaphore, #tpu.memory_space<semaphore_mem>>)
      %dma_wait3A_61 = arith.constant 0 : i32
      %dma_wait3A_62 = arith.constant 0 : i32
      %dma_wait3A_63 = tpu.memref_slice %arg4[%arg1, %dma_wait3A_61, %dma_wait3A_62] : memref<16x162x128xi32, #tpu.memory_space<hbm>> -> memref<1x162x128xi32, #tpu.memory_space<hbm>>
      %dma_wait3A_64 = tpu.memref_squeeze %dma_wait3A_63 : memref<1x162x128xi32, #tpu.memory_space<hbm>> -> memref<162x128xi32, #tpu.memory_space<hbm>>
      %dma_wait3A_65 = arith.constant 0 : i32
      %dma_wait3A_66 = arith.constant 0 : i32
      %dma_wait3A_67 = tpu.memref_slice %arg4[%arg1, %dma_wait3A_65, %dma_wait3A_66] : memref<16x162x128xi32, #tpu.memory_space<hbm>> -> memref<1x162x128xi32, #tpu.memory_space<hbm>>
      %dma_wait3A_68 = tpu.memref_squeeze %dma_wait3A_67 : memref<1x162x128xi32, #tpu.memory_space<hbm>> -> memref<162x128xi32, #tpu.memory_space<hbm>>
      tpu.wait_dma2 semaphore(%run_scoped3A : memref<!tpu.dma_semaphore, #tpu.memory_space<semaphore_mem>>) src(%dma_wait3A_68 : memref<162x128xi32, #tpu.memory_space<hbm>>) dst(%arg8 : memref<162x128xi32, #tpu.memory_space<vmem>>)
      tpu.yield
    }) : () -> ()
    %mul3A = arith.constant 632 : i32
    %mul3A_0 = arith.muli %arg1, %mul3A : i32
    "tpu.region"() ({
      %run_scoped3A = tpu.sem_alloc : memref<!tpu.dma_semaphore, #tpu.memory_space<semaphore_mem>>
      %dma_start3A_53 = arith.constant 0 : i32
      %dma_start3A_54 = tpu.memref_slice %arg11[%mul3A_0, %dma_start3A_53] : memref<10112x64xf32, #tpu.memory_space<vmem_shared>> -> memref<632x64xf32, #tpu.memory_space<vmem_shared>>
      tpu.enqueue_dma source(%arg5 : memref<632x64xf32, #tpu.memory_space<hbm>>) target(%dma_start3A_54 : memref<632x64xf32, #tpu.memory_space<vmem_shared>>) target_semaphore(%run_scoped3A : memref<!tpu.dma_semaphore, #tpu.memory_space<semaphore_mem>>)
      %dma_wait3A_55 = arith.constant 0 : i32
      %dma_wait3A_56 = tpu.memref_slice %arg11[%mul3A_0, %dma_wait3A_55] : memref<10112x64xf32, #tpu.memory_space<vmem_shared>> -> memref<632x64xf32, #tpu.memory_space<vmem_shared>>
      tpu.wait_dma2 semaphore(%run_scoped3A : memref<!tpu.dma_semaphore, #tpu.memory_space<semaphore_mem>>) src(%arg5 : memref<632x64xf32, #tpu.memory_space<hbm>>) dst(%dma_wait3A_56 : memref<632x64xf32, #tpu.memory_space<vmem_shared>>)
      tpu.yield
    }) : () -> ()
    %barrier3A = arith.constant 0 : index
    tpu.barrier barrier_id(%barrier3A)
    %dma_start3A = arith.constant 0 : i32
    %dma_start3A_1 = arith.constant 0 : i32
    %dma_start3A_2 = tpu.memref_slice %arg7[%dma_start3A, %dma_start3A_1] : memref<162x128xi32, #tpu.memory_space<vmem>> -> memref<1x128xi32, #tpu.memory_space<vmem>>
    %dma_start3A_3 = tpu.memref_squeeze %dma_start3A_2 : memref<1x128xi32, #tpu.memory_space<vmem>> -> memref<128xi32, #tpu.memory_space<vmem>>
    %dma_start3A_4 = arith.constant 0 : i32
    %dma_start3A_5 = arith.constant 0 : i32
    %dma_start3A_6 = tpu.memref_slice %arg2[%arg0, %dma_start3A_4, %dma_start3A_5] : memref<2x10000x64xf32, #tpu.memory_space<hbm>> -> memref<1x10000x64xf32, #tpu.memory_space<hbm>>
    %dma_start3A_7 = tpu.memref_squeeze %dma_start3A_6 : memref<1x10000x64xf32, #tpu.memory_space<hbm>> -> memref<10000x64xf32, #tpu.memory_space<hbm>>
    %dma_start3A_8 = arith.constant 0 : i32
    %dma_start3A_9 = arith.constant 0 : i32
    %dma_start3A_10 = tpu.memref_slice %dma_start3A_7[%dma_start3A_8, %dma_start3A_9] : memref<10000x64xf32, #tpu.memory_space<hbm>> -> memref<10000x64xf32, #tpu.memory_space<hbm>>
    tpu.enqueue_indirect_dma source(%dma_start3A_10 : memref<10000x64xf32, #tpu.memory_space<hbm>>) target(%arg9 : memref<128x64xf32, #tpu.memory_space<vmem>>) offsets(%dma_start3A_3 : memref<128xi32, #tpu.memory_space<vmem>>) semaphore(%arg12 : memref<!tpu.dma_semaphore, #tpu.memory_space<semaphore_mem>>)
    %dma_start3A_11 = arith.constant 1 : i32
    %dma_start3A_12 = arith.constant 0 : i32
    %dma_start3A_13 = tpu.memref_slice %arg7[%dma_start3A_11, %dma_start3A_12] : memref<162x128xi32, #tpu.memory_space<vmem>> -> memref<1x128xi32, #tpu.memory_space<vmem>>
    %dma_start3A_14 = tpu.memref_squeeze %dma_start3A_13 : memref<1x128xi32, #tpu.memory_space<vmem>> -> memref<128xi32, #tpu.memory_space<vmem>>
    %dma_start3A_15 = arith.constant 0 : i32
    %dma_start3A_16 = arith.constant 0 : i32
    %dma_start3A_17 = tpu.memref_slice %arg2[%arg0, %dma_start3A_15, %dma_start3A_16] : memref<2x10000x64xf32, #tpu.memory_space<hbm>> -> memref<1x10000x64xf32, #tpu.memory_space<hbm>>
    %dma_start3A_18 = tpu.memref_squeeze %dma_start3A_17 : memref<1x10000x64xf32, #tpu.memory_space<hbm>> -> memref<10000x64xf32, #tpu.memory_space<hbm>>
    %dma_start3A_19 = arith.constant 0 : i32
    %dma_start3A_20 = arith.constant 0 : i32
    %dma_start3A_21 = tpu.memref_slice %dma_start3A_18[%dma_start3A_19, %dma_start3A_20] : memref<10000x64xf32, #tpu.memory_space<hbm>> -> memref<10000x64xf32, #tpu.memory_space<hbm>>
    tpu.enqueue_indirect_dma source(%dma_start3A_21 : memref<10000x64xf32, #tpu.memory_space<hbm>>) target(%arg10 : memref<128x64xf32, #tpu.memory_space<vmem>>) offsets(%dma_start3A_14 : memref<128xi32, #tpu.memory_space<vmem>>) semaphore(%arg13 : memref<!tpu.dma_semaphore, #tpu.memory_space<semaphore_mem>>)
    %scan3A = arith.constant 0 : i32
    %scan3A_22 = arith.constant 0 : i32
    %scan3A_23 = arith.constant 81 : i32
    %scan3A_24 = arith.addi %scan3A_22, %scan3A_23 : i32
    %scan3A_25 = arith.constant 1 : i32
    scf.for %scan3A_53 = %scan3A_22 to %scan3A_24 step %scan3A_25  : i32 {
      %mul3A_54 = arith.constant 2 : i32
      %mul3A_55 = arith.muli %mul3A_54, %scan3A_53 : i32
      %add3A = arith.constant 1 : i32
      %add3A_56 = arith.addi %mul3A_55, %add3A : i32
      %dma_wait3A_57 = arith.constant 0 : i32
      %dma_wait3A_58 = tpu.memref_slice %arg7[%mul3A_55, %dma_wait3A_57] : memref<162x128xi32, #tpu.memory_space<vmem>> -> memref<1x128xi32, #tpu.memory_space<vmem>>
      %dma_wait3A_59 = tpu.memref_squeeze %dma_wait3A_58 : memref<1x128xi32, #tpu.memory_space<vmem>> -> memref<128xi32, #tpu.memory_space<vmem>>
      %dma_wait3A_60 = arith.constant 0 : i32
      %dma_wait3A_61 = arith.constant 0 : i32
      %dma_wait3A_62 = tpu.memref_slice %arg2[%arg0, %dma_wait3A_60, %dma_wait3A_61] : memref<2x10000x64xf32, #tpu.memory_space<hbm>> -> memref<1x10000x64xf32, #tpu.memory_space<hbm>>
      %dma_wait3A_63 = tpu.memref_squeeze %dma_wait3A_62 : memref<1x10000x64xf32, #tpu.memory_space<hbm>> -> memref<10000x64xf32, #tpu.memory_space<hbm>>
      %dma_wait3A_64 = arith.constant 0 : i32
      %dma_wait3A_65 = arith.constant 0 : i32
      %dma_wait3A_66 = tpu.memref_slice %dma_wait3A_63[%dma_wait3A_64, %dma_wait3A_65] : memref<10000x64xf32, #tpu.memory_space<hbm>> -> memref<10000x64xf32, #tpu.memory_space<hbm>>
      tpu.wait_indirect_dma semaphore(%arg12 : memref<!tpu.dma_semaphore, #tpu.memory_space<semaphore_mem>>) src(%dma_wait3A_66 : memref<10000x64xf32, #tpu.memory_space<hbm>>) dst(%arg9 : memref<128x64xf32, #tpu.memory_space<vmem>>)
      "tpu.region"() ({
        %run_scoped3A = tpu.sem_alloc : memref<!tpu.dma_semaphore, #tpu.memory_space<semaphore_mem>>
        %dma_start3A_104 = arith.constant 0 : i32
        %dma_start3A_105 = tpu.memref_slice %arg8[%mul3A_55, %dma_start3A_104] : memref<162x128xi32, #tpu.memory_space<vmem>> -> memref<1x128xi32, #tpu.memory_space<vmem>>
        %dma_start3A_106 = tpu.memref_squeeze %dma_start3A_105 : memref<1x128xi32, #tpu.memory_space<vmem>> -> memref<128xi32, #tpu.memory_space<vmem>>
        %dma_start3A_107 = arith.constant 0 : i32
        %dma_start3A_108 = arith.constant 0 : i32
        %dma_start3A_109 = tpu.memref_slice %arg11[%dma_start3A_107, %dma_start3A_108] : memref<10112x64xf32, #tpu.memory_space<vmem_shared>> -> memref<10112x64xf32, #tpu.memory_space<vmem_shared>>
        tpu.enqueue_indirect_dma source(%arg9 : memref<128x64xf32, #tpu.memory_space<vmem>>) target(%dma_start3A_109 : memref<10112x64xf32, #tpu.memory_space<vmem_shared>>) offsets(%dma_start3A_106 : memref<128xi32, #tpu.memory_space<vmem>>) semaphore(%run_scoped3A : memref<!tpu.dma_semaphore, #tpu.memory_space<semaphore_mem>>) {add = true}
        %dma_wait3A_110 = arith.constant 0 : i32
        %dma_wait3A_111 = tpu.memref_slice %arg8[%mul3A_55, %dma_wait3A_110] : memref<162x128xi32, #tpu.memory_space<vmem>> -> memref<1x128xi32, #tpu.memory_space<vmem>>
        %dma_wait3A_112 = tpu.memref_squeeze %dma_wait3A_111 : memref<1x128xi32, #tpu.memory_space<vmem>> -> memref<128xi32, #tpu.memory_space<vmem>>
        %dma_wait3A_113 = arith.constant 0 : i32
        %dma_wait3A_114 = arith.constant 0 : i32
        %dma_wait3A_115 = tpu.memref_slice %arg11[%dma_wait3A_113, %dma_wait3A_114] : memref<10112x64xf32, #tpu.memory_space<vmem_shared>> -> memref<10112x64xf32, #tpu.memory_space<vmem_shared>>
        tpu.wait_indirect_dma semaphore(%run_scoped3A : memref<!tpu.dma_semaphore, #tpu.memory_space<semaphore_mem>>) src(%arg9 : memref<128x64xf32, #tpu.memory_space<vmem>>) dst(%dma_wait3A_115 : memref<10112x64xf32, #tpu.memory_space<vmem_shared>>)
        tpu.yield
      }) : () -> ()
      %add3A_67 = arith.constant 2 : i32
      %add3A_68 = arith.addi %mul3A_55, %add3A_67 : i32
      %min3A = arith.constant 161 : i32
      %min3A_69 = arith.minsi %add3A_68, %min3A : i32
      %dma_start3A_70 = arith.constant 0 : i32
      %dma_start3A_71 = tpu.memref_slice %arg7[%min3A_69, %dma_start3A_70] : memref<162x128xi32, #tpu.memory_space<vmem>> -> memref<1x128xi32, #tpu.memory_space<vmem>>
      %dma_start3A_72 = tpu.memref_squeeze %dma_start3A_71 : memref<1x128xi32, #tpu.memory_space<vmem>> -> memref<128xi32, #tpu.memory_space<vmem>>
      %dma_start3A_73 = arith.constant 0 : i32
      %dma_start3A_74 = arith.constant 0 : i32
      %dma_start3A_75 = tpu.memref_slice %arg2[%arg0, %dma_start3A_73, %dma_start3A_74] : memref<2x10000x64xf32, #tpu.memory_space<hbm>> -> memref<1x10000x64xf32, #tpu.memory_space<hbm>>
      %dma_start3A_76 = tpu.memref_squeeze %dma_start3A_75 : memref<1x10000x64xf32, #tpu.memory_space<hbm>> -> memref<10000x64xf32, #tpu.memory_space<hbm>>
      %dma_start3A_77 = arith.constant 0 : i32
      %dma_start3A_78 = arith.constant 0 : i32
      %dma_start3A_79 = tpu.memref_slice %dma_start3A_76[%dma_start3A_77, %dma_start3A_78] : memref<10000x64xf32, #tpu.memory_space<hbm>> -> memref<10000x64xf32, #tpu.memory_space<hbm>>
      tpu.enqueue_indirect_dma source(%dma_start3A_79 : memref<10000x64xf32, #tpu.memory_space<hbm>>) target(%arg9 : memref<128x64xf32, #tpu.memory_space<vmem>>) offsets(%dma_start3A_72 : memref<128xi32, #tpu.memory_space<vmem>>) semaphore(%arg12 : memref<!tpu.dma_semaphore, #tpu.memory_space<semaphore_mem>>)
      %dma_wait3A_80 = arith.constant 0 : i32
      %dma_wait3A_81 = tpu.memref_slice %arg7[%add3A_56, %dma_wait3A_80] : memref<162x128xi32, #tpu.memory_space<vmem>> -> memref<1x128xi32, #tpu.memory_space<vmem>>
      %dma_wait3A_82 = tpu.memref_squeeze %dma_wait3A_81 : memref<1x128xi32, #tpu.memory_space<vmem>> -> memref<128xi32, #tpu.memory_space<vmem>>
      %dma_wait3A_83 = arith.constant 0 : i32
      %dma_wait3A_84 = arith.constant 0 : i32
      %dma_wait3A_85 = tpu.memref_slice %arg2[%arg0, %dma_wait3A_83, %dma_wait3A_84] : memref<2x10000x64xf32, #tpu.memory_space<hbm>> -> memref<1x10000x64xf32, #tpu.memory_space<hbm>>
      %dma_wait3A_86 = tpu.memref_squeeze %dma_wait3A_85 : memref<1x10000x64xf32, #tpu.memory_space<hbm>> -> memref<10000x64xf32, #tpu.memory_space<hbm>>
      %dma_wait3A_87 = arith.constant 0 : i32
      %dma_wait3A_88 = arith.constant 0 : i32
      %dma_wait3A_89 = tpu.memref_slice %dma_wait3A_86[%dma_wait3A_87, %dma_wait3A_88] : memref<10000x64xf32, #tpu.memory_space<hbm>> -> memref<10000x64xf32, #tpu.memory_space<hbm>>
      tpu.wait_indirect_dma semaphore(%arg13 : memref<!tpu.dma_semaphore, #tpu.memory_space<semaphore_mem>>) src(%dma_wait3A_89 : memref<10000x64xf32, #tpu.memory_space<hbm>>) dst(%arg10 : memref<128x64xf32, #tpu.memory_space<vmem>>)
      "tpu.region"() ({
        %run_scoped3A = tpu.sem_alloc : memref<!tpu.dma_semaphore, #tpu.memory_space<semaphore_mem>>
        %dma_start3A_104 = arith.constant 0 : i32
        %dma_start3A_105 = tpu.memref_slice %arg8[%add3A_56, %dma_start3A_104] : memref<162x128xi32, #tpu.memory_space<vmem>> -> memref<1x128xi32, #tpu.memory_space<vmem>>
        %dma_start3A_106 = tpu.memref_squeeze %dma_start3A_105 : memref<1x128xi32, #tpu.memory_space<vmem>> -> memref<128xi32, #tpu.memory_space<vmem>>
        %dma_start3A_107 = arith.constant 0 : i32
        %dma_start3A_108 = arith.constant 0 : i32
        %dma_start3A_109 = tpu.memref_slice %arg11[%dma_start3A_107, %dma_start3A_108] : memref<10112x64xf32, #tpu.memory_space<vmem_shared>> -> memref<10112x64xf32, #tpu.memory_space<vmem_shared>>
        tpu.enqueue_indirect_dma source(%arg10 : memref<128x64xf32, #tpu.memory_space<vmem>>) target(%dma_start3A_109 : memref<10112x64xf32, #tpu.memory_space<vmem_shared>>) offsets(%dma_start3A_106 : memref<128xi32, #tpu.memory_space<vmem>>) semaphore(%run_scoped3A : memref<!tpu.dma_semaphore, #tpu.memory_space<semaphore_mem>>) {add = true}
        %dma_wait3A_110 = arith.constant 0 : i32
        %dma_wait3A_111 = tpu.memref_slice %arg8[%add3A_56, %dma_wait3A_110] : memref<162x128xi32, #tpu.memory_space<vmem>> -> memref<1x128xi32, #tpu.memory_space<vmem>>
        %dma_wait3A_112 = tpu.memref_squeeze %dma_wait3A_111 : memref<1x128xi32, #tpu.memory_space<vmem>> -> memref<128xi32, #tpu.memory_space<vmem>>
        %dma_wait3A_113 = arith.constant 0 : i32
        %dma_wait3A_114 = arith.constant 0 : i32
        %dma_wait3A_115 = tpu.memref_slice %arg11[%dma_wait3A_113, %dma_wait3A_114] : memref<10112x64xf32, #tpu.memory_space<vmem_shared>> -> memref<10112x64xf32, #tpu.memory_space<vmem_shared>>
        tpu.wait_indirect_dma semaphore(%run_scoped3A : memref<!tpu.dma_semaphore, #tpu.memory_space<semaphore_mem>>) src(%arg10 : memref<128x64xf32, #tpu.memory_space<vmem>>) dst(%dma_wait3A_115 : memref<10112x64xf32, #tpu.memory_space<vmem_shared>>)
        tpu.yield
      }) : () -> ()
      %add3A_90 = arith.constant 2 : i32
      %add3A_91 = arith.addi %add3A_56, %add3A_90 : i32
      %min3A_92 = arith.constant 161 : i32
      %min3A_93 = arith.minsi %add3A_91, %min3A_92 : i32
      %dma_start3A_94 = arith.constant 0 : i32
      %dma_start3A_95 = tpu.memref_slice %arg7[%min3A_93, %dma_start3A_94] : memref<162x128xi32, #tpu.memory_space<vmem>> -> memref<1x128xi32, #tpu.memory_space<vmem>>
      %dma_start3A_96 = tpu.memref_squeeze %dma_start3A_95 : memref<1x128xi32, #tpu.memory_space<vmem>> -> memref<128xi32, #tpu.memory_space<vmem>>
      %dma_start3A_97 = arith.constant 0 : i32
      %dma_start3A_98 = arith.constant 0 : i32
      %dma_start3A_99 = tpu.memref_slice %arg2[%arg0, %dma_start3A_97, %dma_start3A_98] : memref<2x10000x64xf32, #tpu.memory_space<hbm>> -> memref<1x10000x64xf32, #tpu.memory_space<hbm>>
      %dma_start3A_100 = tpu.memref_squeeze %dma_start3A_99 : memref<1x10000x64xf32, #tpu.memory_space<hbm>> -> memref<10000x64xf32, #tpu.memory_space<hbm>>
      %dma_start3A_101 = arith.constant 0 : i32
      %dma_start3A_102 = arith.constant 0 : i32
      %dma_start3A_103 = tpu.memref_slice %dma_start3A_100[%dma_start3A_101, %dma_start3A_102] : memref<10000x64xf32, #tpu.memory_space<hbm>> -> memref<10000x64xf32, #tpu.memory_space<hbm>>
      tpu.enqueue_indirect_dma source(%dma_start3A_103 : memref<10000x64xf32, #tpu.memory_space<hbm>>) target(%arg10 : memref<128x64xf32, #tpu.memory_space<vmem>>) offsets(%dma_start3A_96 : memref<128xi32, #tpu.memory_space<vmem>>) semaphore(%arg13 : memref<!tpu.dma_semaphore, #tpu.memory_space<semaphore_mem>>)
    }
    %scan3A_26 = arith.constant 81 : i32
    %dma_wait3A = arith.constant 161 : i32
    %dma_wait3A_27 = arith.constant 0 : i32
    %dma_wait3A_28 = tpu.memref_slice %arg7[%dma_wait3A, %dma_wait3A_27] : memref<162x128xi32, #tpu.memory_space<vmem>> -> memref<1x128xi32, #tpu.memory_space<vmem>>
    %dma_wait3A_29 = tpu.memref_squeeze %dma_wait3A_28 : memref<1x128xi32, #tpu.memory_space<vmem>> -> memref<128xi32, #tpu.memory_space<vmem>>
    %dma_wait3A_30 = arith.constant 0 : i32
    %dma_wait3A_31 = arith.constant 0 : i32
    %dma_wait3A_32 = tpu.memref_slice %arg2[%arg0, %dma_wait3A_30, %dma_wait3A_31] : memref<2x10000x64xf32, #tpu.memory_space<hbm>> -> memref<1x10000x64xf32, #tpu.memory_space<hbm>>
    %dma_wait3A_33 = tpu.memref_squeeze %dma_wait3A_32 : memref<1x10000x64xf32, #tpu.memory_space<hbm>> -> memref<10000x64xf32, #tpu.memory_space<hbm>>
    %dma_wait3A_34 = arith.constant 0 : i32
    %dma_wait3A_35 = arith.constant 0 : i32
    %dma_wait3A_36 = tpu.memref_slice %dma_wait3A_33[%dma_wait3A_34, %dma_wait3A_35] : memref<10000x64xf32, #tpu.memory_space<hbm>> -> memref<10000x64xf32, #tpu.memory_space<hbm>>
    tpu.wait_indirect_dma semaphore(%arg12 : memref<!tpu.dma_semaphore, #tpu.memory_space<semaphore_mem>>) src(%dma_wait3A_36 : memref<10000x64xf32, #tpu.memory_space<hbm>>) dst(%arg9 : memref<128x64xf32, #tpu.memory_space<vmem>>)
    %dma_wait3A_37 = arith.constant 161 : i32
    %dma_wait3A_38 = arith.constant 0 : i32
    %dma_wait3A_39 = tpu.memref_slice %arg7[%dma_wait3A_37, %dma_wait3A_38] : memref<162x128xi32, #tpu.memory_space<vmem>> -> memref<1x128xi32, #tpu.memory_space<vmem>>
    %dma_wait3A_40 = tpu.memref_squeeze %dma_wait3A_39 : memref<1x128xi32, #tpu.memory_space<vmem>> -> memref<128xi32, #tpu.memory_space<vmem>>
    %dma_wait3A_41 = arith.constant 0 : i32
    %dma_wait3A_42 = arith.constant 0 : i32
    %dma_wait3A_43 = tpu.memref_slice %arg2[%arg0, %dma_wait3A_41, %dma_wait3A_42] : memref<2x10000x64xf32, #tpu.memory_space<hbm>> -> memref<1x10000x64xf32, #tpu.memory_space<hbm>>
    %dma_wait3A_44 = tpu.memref_squeeze %dma_wait3A_43 : memref<1x10000x64xf32, #tpu.memory_space<hbm>> -> memref<10000x64xf32, #tpu.memory_space<hbm>>
    %dma_wait3A_45 = arith.constant 0 : i32
    %dma_wait3A_46 = arith.constant 0 : i32
    %dma_wait3A_47 = tpu.memref_slice %dma_wait3A_44[%dma_wait3A_45, %dma_wait3A_46] : memref<10000x64xf32, #tpu.memory_space<hbm>> -> memref<10000x64xf32, #tpu.memory_space<hbm>>
    tpu.wait_indirect_dma semaphore(%arg13 : memref<!tpu.dma_semaphore, #tpu.memory_space<semaphore_mem>>) src(%dma_wait3A_47 : memref<10000x64xf32, #tpu.memory_space<hbm>>) dst(%arg10 : memref<128x64xf32, #tpu.memory_space<vmem>>)
    %barrier3A_48 = arith.constant 0 : index
    tpu.barrier barrier_id(%barrier3A_48)
    %mul3A_49 = arith.constant 632 : i32
    %mul3A_50 = arith.muli %arg1, %mul3A_49 : i32
    %mul3A_51 = arith.constant 632 : i32
    %mul3A_52 = arith.muli %arg1, %mul3A_51 : i32
    "tpu.region"() ({
      %run_scoped3A = tpu.sem_alloc : memref<!tpu.dma_semaphore, #tpu.memory_space<semaphore_mem>>
      %dma_start3A_53 = arith.constant 0 : i32
      %dma_start3A_54 = tpu.memref_slice %arg6[%arg0, %mul3A_52, %dma_start3A_53] : memref<2x10112x64xf32, #tpu.memory_space<hbm>> -> memref<1x632x64xf32, #tpu.memory_space<hbm>>
      %dma_start3A_55 = tpu.memref_squeeze %dma_start3A_54 : memref<1x632x64xf32, #tpu.memory_space<hbm>> -> memref<632x64xf32, #tpu.memory_space<hbm>>
      %dma_start3A_56 = arith.constant 0 : i32
      %dma_start3A_57 = tpu.memref_slice %arg11[%mul3A_50, %dma_start3A_56] : memref<10112x64xf32, #tpu.memory_space<vmem_shared>> -> memref<632x64xf32, #tpu.memory_space<vmem_shared>>
      tpu.enqueue_dma source(%dma_start3A_57 : memref<632x64xf32, #tpu.memory_space<vmem_shared>>) target(%dma_start3A_55 : memref<632x64xf32, #tpu.memory_space<hbm>>) target_semaphore(%run_scoped3A : memref<!tpu.dma_semaphore, #tpu.memory_space<semaphore_mem>>)
      %dma_wait3A_58 = arith.constant 0 : i32
      %dma_wait3A_59 = tpu.memref_slice %arg6[%arg0, %mul3A_52, %dma_wait3A_58] : memref<2x10112x64xf32, #tpu.memory_space<hbm>> -> memref<1x632x64xf32, #tpu.memory_space<hbm>>
      %dma_wait3A_60 = tpu.memref_squeeze %dma_wait3A_59 : memref<1x632x64xf32, #tpu.memory_space<hbm>> -> memref<632x64xf32, #tpu.memory_space<hbm>>
      %dma_wait3A_61 = arith.constant 0 : i32
      %dma_wait3A_62 = tpu.memref_slice %arg11[%mul3A_50, %dma_wait3A_61] : memref<10112x64xf32, #tpu.memory_space<vmem_shared>> -> memref<632x64xf32, #tpu.memory_space<vmem_shared>>
      tpu.wait_dma2 semaphore(%run_scoped3A : memref<!tpu.dma_semaphore, #tpu.memory_space<semaphore_mem>>) src(%dma_wait3A_62 : memref<632x64xf32, #tpu.memory_space<vmem_shared>>) dst(%dma_wait3A_60 : memref<632x64xf32, #tpu.memory_space<hbm>>)
      tpu.yield
    }) : () -> ()
    return
  }
}

#map = affine_map<(d0, d1) -> (0, 0, 0)>
#map1 = affine_map<(d0, d1) -> (0, 0)>
module attributes {stable_mosaic.version = 14 : i64} {
  func.func @_agg_body(%arg0: i32, %arg1: i32, %arg2: memref<2x10000x64xf32, #tpu.memory_space<hbm>>, %arg3: memref<16x162x128xi32, #tpu.memory_space<hbm>>, %arg4: memref<16x162x128xi32, #tpu.memory_space<hbm>>, %arg5: memref<632x64xf32, #tpu.memory_space<hbm>>, %arg6: memref<2x10112x64xf32, #tpu.memory_space<hbm>>, %arg7: memref<162x128xi32, #tpu.memory_space<vmem>>, %arg8: memref<162x128xi32, #tpu.memory_space<vmem>>, %arg9: memref<128x64xf32, #tpu.memory_space<vmem>>, %arg10: memref<128x64xf32, #tpu.memory_space<vmem>>, %arg11: memref<10112x64xf32, #tpu.memory_space<vmem_shared>>, %arg12: memref<!tpu.dma_semaphore, #tpu.memory_space<semaphore_mem>>, %arg13: memref<!tpu.dma_semaphore, #tpu.memory_space<semaphore_mem>>) attributes {dimension_semantics = [#tpu.dimension_semantics<core_parallel>, #tpu.dimension_semantics<subcore_parallel>], iteration_bounds = array<i64: 2, 16>, scalar_prefetch = 0 : i64, scratch_operands = 7 : i64, tpu.core_type = #tpu.core_type<sc_vector_subcore>, window_params = [{transform_indices = #map}, {transform_indices = #map}, {transform_indices = #map}, {transform_indices = #map1}, {transform_indices = #map}]} {
    "tpu.region"() ({
      %run_scoped3A = tpu.sem_alloc : memref<!tpu.dma_semaphore, #tpu.memory_space<semaphore_mem>>
      %dma_start3A_53 = arith.constant 0 : i32
      %dma_start3A_54 = arith.constant 0 : i32
      %dma_start3A_55 = tpu.memref_slice %arg3[%arg1, %dma_start3A_53, %dma_start3A_54] : memref<16x162x128xi32, #tpu.memory_space<hbm>> -> memref<1x162x128xi32, #tpu.memory_space<hbm>>
      %dma_start3A_56 = tpu.memref_squeeze %dma_start3A_55 : memref<1x162x128xi32, #tpu.memory_space<hbm>> -> memref<162x128xi32, #tpu.memory_space<hbm>>
      %dma_start3A_57 = arith.constant 0 : i32
      %dma_start3A_58 = arith.constant 0 : i32
      %dma_start3A_59 = tpu.memref_slice %arg3[%arg1, %dma_start3A_57, %dma_start3A_58] : memref<16x162x128xi32, #tpu.memory_space<hbm>> -> memref<1x162x128xi32, #tpu.memory_space<hbm>>
      %dma_start3A_60 = tpu.memref_squeeze %dma_start3A_59 : memref<1x162x128xi32, #tpu.memory_space<hbm>> -> memref<162x128xi32, #tpu.memory_space<hbm>>
      tpu.enqueue_dma source(%dma_start3A_60 : memref<162x128xi32, #tpu.memory_space<hbm>>) target(%arg7 : memref<162x128xi32, #tpu.memory_space<vmem>>) target_semaphore(%run_scoped3A : memref<!tpu.dma_semaphore, #tpu.memory_space<semaphore_mem>>)
      %dma_wait3A_61 = arith.constant 0 : i32
      %dma_wait3A_62 = arith.constant 0 : i32
      %dma_wait3A_63 = tpu.memref_slice %arg3[%arg1, %dma_wait3A_61, %dma_wait3A_62] : memref<16x162x128xi32, #tpu.memory_space<hbm>> -> memref<1x162x128xi32, #tpu.memory_space<hbm>>
      %dma_wait3A_64 = tpu.memref_squeeze %dma_wait3A_63 : memref<1x162x128xi32, #tpu.memory_space<hbm>> -> memref<162x128xi32, #tpu.memory_space<hbm>>
      %dma_wait3A_65 = arith.constant 0 : i32
      %dma_wait3A_66 = arith.constant 0 : i32
      %dma_wait3A_67 = tpu.memref_slice %arg3[%arg1, %dma_wait3A_65, %dma_wait3A_66] : memref<16x162x128xi32, #tpu.memory_space<hbm>> -> memref<1x162x128xi32, #tpu.memory_space<hbm>>
      %dma_wait3A_68 = tpu.memref_squeeze %dma_wait3A_67 : memref<1x162x128xi32, #tpu.memory_space<hbm>> -> memref<162x128xi32, #tpu.memory_space<hbm>>
      tpu.wait_dma2 semaphore(%run_scoped3A : memref<!tpu.dma_semaphore, #tpu.memory_space<semaphore_mem>>) src(%dma_wait3A_68 : memref<162x128xi32, #tpu.memory_space<hbm>>) dst(%arg7 : memref<162x128xi32, #tpu.memory_space<vmem>>)
      tpu.yield
    }) : () -> ()
    "tpu.region"() ({
      %run_scoped3A = tpu.sem_alloc : memref<!tpu.dma_semaphore, #tpu.memory_space<semaphore_mem>>
      %dma_start3A_53 = arith.constant 0 : i32
      %dma_start3A_54 = arith.constant 0 : i32
      %dma_start3A_55 = tpu.memref_slice %arg4[%arg1, %dma_start3A_53, %dma_start3A_54] : memref<16x162x128xi32, #tpu.memory_space<hbm>> -> memref<1x162x128xi32, #tpu.memory_space<hbm>>
      %dma_start3A_56 = tpu.memref_squeeze %dma_start3A_55 : memref<1x162x128xi32, #tpu.memory_space<hbm>> -> memref<162x128xi32, #tpu.memory_space<hbm>>
      %dma_start3A_57 = arith.constant 0 : i32
      %dma_start3A_58 = arith.constant 0 : i32
      %dma_start3A_59 = tpu.memref_slice %arg4[%arg1, %dma_start3A_57, %dma_start3A_58] : memref<16x162x128xi32, #tpu.memory_space<hbm>> -> memref<1x162x128xi32, #tpu.memory_space<hbm>>
      %dma_start3A_60 = tpu.memref_squeeze %dma_start3A_59 : memref<1x162x128xi32, #tpu.memory_space<hbm>> -> memref<162x128xi32, #tpu.memory_space<hbm>>
      tpu.enqueue_dma source(%dma_start3A_60 : memref<162x128xi32, #tpu.memory_space<hbm>>) target(%arg8 : memref<162x128xi32, #tpu.memory_space<vmem>>) target_semaphore(%run_scoped3A : memref<!tpu.dma_semaphore, #tpu.memory_space<semaphore_mem>>)
      %dma_wait3A_61 = arith.constant 0 : i32
      %dma_wait3A_62 = arith.constant 0 : i32
      %dma_wait3A_63 = tpu.memref_slice %arg4[%arg1, %dma_wait3A_61, %dma_wait3A_62] : memref<16x162x128xi32, #tpu.memory_space<hbm>> -> memref<1x162x128xi32, #tpu.memory_space<hbm>>
      %dma_wait3A_64 = tpu.memref_squeeze %dma_wait3A_63 : memref<1x162x128xi32, #tpu.memory_space<hbm>> -> memref<162x128xi32, #tpu.memory_space<hbm>>
      %dma_wait3A_65 = arith.constant 0 : i32
      %dma_wait3A_66 = arith.constant 0 : i32
      %dma_wait3A_67 = tpu.memref_slice %arg4[%arg1, %dma_wait3A_65, %dma_wait3A_66] : memref<16x162x128xi32, #tpu.memory_space<hbm>> -> memref<1x162x128xi32, #tpu.memory_space<hbm>>
      %dma_wait3A_68 = tpu.memref_squeeze %dma_wait3A_67 : memref<1x162x128xi32, #tpu.memory_space<hbm>> -> memref<162x128xi32, #tpu.memory_space<hbm>>
      tpu.wait_dma2 semaphore(%run_scoped3A : memref<!tpu.dma_semaphore, #tpu.memory_space<semaphore_mem>>) src(%dma_wait3A_68 : memref<162x128xi32, #tpu.memory_space<hbm>>) dst(%arg8 : memref<162x128xi32, #tpu.memory_space<vmem>>)
      tpu.yield
    }) : () -> ()
    %mul3A = arith.constant 632 : i32
    %mul3A_0 = arith.muli %arg1, %mul3A : i32
    "tpu.region"() ({
      %run_scoped3A = tpu.sem_alloc : memref<!tpu.dma_semaphore, #tpu.memory_space<semaphore_mem>>
      %dma_start3A_53 = arith.constant 0 : i32
      %dma_start3A_54 = tpu.memref_slice %arg11[%mul3A_0, %dma_start3A_53] : memref<10112x64xf32, #tpu.memory_space<vmem_shared>> -> memref<632x64xf32, #tpu.memory_space<vmem_shared>>
      tpu.enqueue_dma source(%arg5 : memref<632x64xf32, #tpu.memory_space<hbm>>) target(%dma_start3A_54 : memref<632x64xf32, #tpu.memory_space<vmem_shared>>) target_semaphore(%run_scoped3A : memref<!tpu.dma_semaphore, #tpu.memory_space<semaphore_mem>>)
      %dma_wait3A_55 = arith.constant 0 : i32
      %dma_wait3A_56 = tpu.memref_slice %arg11[%mul3A_0, %dma_wait3A_55] : memref<10112x64xf32, #tpu.memory_space<vmem_shared>> -> memref<632x64xf32, #tpu.memory_space<vmem_shared>>
      tpu.wait_dma2 semaphore(%run_scoped3A : memref<!tpu.dma_semaphore, #tpu.memory_space<semaphore_mem>>) src(%arg5 : memref<632x64xf32, #tpu.memory_space<hbm>>) dst(%dma_wait3A_56 : memref<632x64xf32, #tpu.memory_space<vmem_shared>>)
      tpu.yield
    }) : () -> ()
    %barrier3A = arith.constant 0 : index
    tpu.barrier barrier_id(%barrier3A)
    %dma_start3A = arith.constant 0 : i32
    %dma_start3A_1 = arith.constant 0 : i32
    %dma_start3A_2 = tpu.memref_slice %arg7[%dma_start3A, %dma_start3A_1] : memref<162x128xi32, #tpu.memory_space<vmem>> -> memref<1x128xi32, #tpu.memory_space<vmem>>
    %dma_start3A_3 = tpu.memref_squeeze %dma_start3A_2 : memref<1x128xi32, #tpu.memory_space<vmem>> -> memref<128xi32, #tpu.memory_space<vmem>>
    %dma_start3A_4 = arith.constant 0 : i32
    %dma_start3A_5 = arith.constant 0 : i32
    %dma_start3A_6 = tpu.memref_slice %arg2[%arg0, %dma_start3A_4, %dma_start3A_5] : memref<2x10000x64xf32, #tpu.memory_space<hbm>> -> memref<1x10000x64xf32, #tpu.memory_space<hbm>>
    %dma_start3A_7 = tpu.memref_squeeze %dma_start3A_6 : memref<1x10000x64xf32, #tpu.memory_space<hbm>> -> memref<10000x64xf32, #tpu.memory_space<hbm>>
    %dma_start3A_8 = arith.constant 0 : i32
    %dma_start3A_9 = arith.constant 0 : i32
    %dma_start3A_10 = tpu.memref_slice %dma_start3A_7[%dma_start3A_8, %dma_start3A_9] : memref<10000x64xf32, #tpu.memory_space<hbm>> -> memref<10000x64xf32, #tpu.memory_space<hbm>>
    tpu.enqueue_indirect_dma source(%dma_start3A_10 : memref<10000x64xf32, #tpu.memory_space<hbm>>) target(%arg9 : memref<128x64xf32, #tpu.memory_space<vmem>>) offsets(%dma_start3A_3 : memref<128xi32, #tpu.memory_space<vmem>>) semaphore(%arg12 : memref<!tpu.dma_semaphore, #tpu.memory_space<semaphore_mem>>)
    %dma_start3A_11 = arith.constant 1 : i32
    %dma_start3A_12 = arith.constant 0 : i32
    %dma_start3A_13 = tpu.memref_slice %arg7[%dma_start3A_11, %dma_start3A_12] : memref<162x128xi32, #tpu.memory_space<vmem>> -> memref<1x128xi32, #tpu.memory_space<vmem>>
    %dma_start3A_14 = tpu.memref_squeeze %dma_start3A_13 : memref<1x128xi32, #tpu.memory_space<vmem>> -> memref<128xi32, #tpu.memory_space<vmem>>
    %dma_start3A_15 = arith.constant 0 : i32
    %dma_start3A_16 = arith.constant 0 : i32
    %dma_start3A_17 = tpu.memref_slice %arg2[%arg0, %dma_start3A_15, %dma_start3A_16] : memref<2x10000x64xf32, #tpu.memory_space<hbm>> -> memref<1x10000x64xf32, #tpu.memory_space<hbm>>
    %dma_start3A_18 = tpu.memref_squeeze %dma_start3A_17 : memref<1x10000x64xf32, #tpu.memory_space<hbm>> -> memref<10000x64xf32, #tpu.memory_space<hbm>>
    %dma_start3A_19 = arith.constant 0 : i32
    %dma_start3A_20 = arith.constant 0 : i32
    %dma_start3A_21 = tpu.memref_slice %dma_start3A_18[%dma_start3A_19, %dma_start3A_20] : memref<10000x64xf32, #tpu.memory_space<hbm>> -> memref<10000x64xf32, #tpu.memory_space<hbm>>
    tpu.enqueue_indirect_dma source(%dma_start3A_21 : memref<10000x64xf32, #tpu.memory_space<hbm>>) target(%arg10 : memref<128x64xf32, #tpu.memory_space<vmem>>) offsets(%dma_start3A_14 : memref<128xi32, #tpu.memory_space<vmem>>) semaphore(%arg13 : memref<!tpu.dma_semaphore, #tpu.memory_space<semaphore_mem>>)
    %scan3A = arith.constant 0 : i32
    %scan3A_22 = arith.constant 0 : i32
    %scan3A_23 = arith.constant 81 : i32
    %scan3A_24 = arith.addi %scan3A_22, %scan3A_23 : i32
    %scan3A_25 = arith.constant 1 : i32
    scf.for %scan3A_53 = %scan3A_22 to %scan3A_24 step %scan3A_25  : i32 {
      %mul3A_54 = arith.constant 2 : i32
      %mul3A_55 = arith.muli %mul3A_54, %scan3A_53 : i32
      %add3A = arith.constant 1 : i32
      %add3A_56 = arith.addi %mul3A_55, %add3A : i32
      %dma_wait3A_57 = arith.constant 0 : i32
      %dma_wait3A_58 = tpu.memref_slice %arg7[%mul3A_55, %dma_wait3A_57] : memref<162x128xi32, #tpu.memory_space<vmem>> -> memref<1x128xi32, #tpu.memory_space<vmem>>
      %dma_wait3A_59 = tpu.memref_squeeze %dma_wait3A_58 : memref<1x128xi32, #tpu.memory_space<vmem>> -> memref<128xi32, #tpu.memory_space<vmem>>
      %dma_wait3A_60 = arith.constant 0 : i32
      %dma_wait3A_61 = arith.constant 0 : i32
      %dma_wait3A_62 = tpu.memref_slice %arg2[%arg0, %dma_wait3A_60, %dma_wait3A_61] : memref<2x10000x64xf32, #tpu.memory_space<hbm>> -> memref<1x10000x64xf32, #tpu.memory_space<hbm>>
      %dma_wait3A_63 = tpu.memref_squeeze %dma_wait3A_62 : memref<1x10000x64xf32, #tpu.memory_space<hbm>> -> memref<10000x64xf32, #tpu.memory_space<hbm>>
      %dma_wait3A_64 = arith.constant 0 : i32
      %dma_wait3A_65 = arith.constant 0 : i32
      %dma_wait3A_66 = tpu.memref_slice %dma_wait3A_63[%dma_wait3A_64, %dma_wait3A_65] : memref<10000x64xf32, #tpu.memory_space<hbm>> -> memref<10000x64xf32, #tpu.memory_space<hbm>>
      tpu.wait_indirect_dma semaphore(%arg12 : memref<!tpu.dma_semaphore, #tpu.memory_space<semaphore_mem>>) src(%dma_wait3A_66 : memref<10000x64xf32, #tpu.memory_space<hbm>>) dst(%arg9 : memref<128x64xf32, #tpu.memory_space<vmem>>)
      "tpu.region"() ({
        %run_scoped3A = tpu.sem_alloc : memref<!tpu.dma_semaphore, #tpu.memory_space<semaphore_mem>>
        %dma_start3A_104 = arith.constant 0 : i32
        %dma_start3A_105 = tpu.memref_slice %arg8[%mul3A_55, %dma_start3A_104] : memref<162x128xi32, #tpu.memory_space<vmem>> -> memref<1x128xi32, #tpu.memory_space<vmem>>
        %dma_start3A_106 = tpu.memref_squeeze %dma_start3A_105 : memref<1x128xi32, #tpu.memory_space<vmem>> -> memref<128xi32, #tpu.memory_space<vmem>>
        %dma_start3A_107 = arith.constant 0 : i32
        %dma_start3A_108 = arith.constant 0 : i32
        %dma_start3A_109 = tpu.memref_slice %arg11[%dma_start3A_107, %dma_start3A_108] : memref<10112x64xf32, #tpu.memory_space<vmem_shared>> -> memref<10112x64xf32, #tpu.memory_space<vmem_shared>>
        tpu.enqueue_indirect_dma source(%arg9 : memref<128x64xf32, #tpu.memory_space<vmem>>) target(%dma_start3A_109 : memref<10112x64xf32, #tpu.memory_space<vmem_shared>>) offsets(%dma_start3A_106 : memref<128xi32, #tpu.memory_space<vmem>>) semaphore(%run_scoped3A : memref<!tpu.dma_semaphore, #tpu.memory_space<semaphore_mem>>) {add = true}
        %dma_wait3A_110 = arith.constant 0 : i32
        %dma_wait3A_111 = tpu.memref_slice %arg8[%mul3A_55, %dma_wait3A_110] : memref<162x128xi32, #tpu.memory_space<vmem>> -> memref<1x128xi32, #tpu.memory_space<vmem>>
        %dma_wait3A_112 = tpu.memref_squeeze %dma_wait3A_111 : memref<1x128xi32, #tpu.memory_space<vmem>> -> memref<128xi32, #tpu.memory_space<vmem>>
        %dma_wait3A_113 = arith.constant 0 : i32
        %dma_wait3A_114 = arith.constant 0 : i32
        %dma_wait3A_115 = tpu.memref_slice %arg11[%dma_wait3A_113, %dma_wait3A_114] : memref<10112x64xf32, #tpu.memory_space<vmem_shared>> -> memref<10112x64xf32, #tpu.memory_space<vmem_shared>>
        tpu.wait_indirect_dma semaphore(%run_scoped3A : memref<!tpu.dma_semaphore, #tpu.memory_space<semaphore_mem>>) src(%arg9 : memref<128x64xf32, #tpu.memory_space<vmem>>) dst(%dma_wait3A_115 : memref<10112x64xf32, #tpu.memory_space<vmem_shared>>)
        tpu.yield
      }) : () -> ()
      %add3A_67 = arith.constant 2 : i32
      %add3A_68 = arith.addi %mul3A_55, %add3A_67 : i32
      %min3A = arith.constant 161 : i32
      %min3A_69 = arith.minsi %add3A_68, %min3A : i32
      %dma_start3A_70 = arith.constant 0 : i32
      %dma_start3A_71 = tpu.memref_slice %arg7[%min3A_69, %dma_start3A_70] : memref<162x128xi32, #tpu.memory_space<vmem>> -> memref<1x128xi32, #tpu.memory_space<vmem>>
      %dma_start3A_72 = tpu.memref_squeeze %dma_start3A_71 : memref<1x128xi32, #tpu.memory_space<vmem>> -> memref<128xi32, #tpu.memory_space<vmem>>
      %dma_start3A_73 = arith.constant 0 : i32
      %dma_start3A_74 = arith.constant 0 : i32
      %dma_start3A_75 = tpu.memref_slice %arg2[%arg0, %dma_start3A_73, %dma_start3A_74] : memref<2x10000x64xf32, #tpu.memory_space<hbm>> -> memref<1x10000x64xf32, #tpu.memory_space<hbm>>
      %dma_start3A_76 = tpu.memref_squeeze %dma_start3A_75 : memref<1x10000x64xf32, #tpu.memory_space<hbm>> -> memref<10000x64xf32, #tpu.memory_space<hbm>>
      %dma_start3A_77 = arith.constant 0 : i32
      %dma_start3A_78 = arith.constant 0 : i32
      %dma_start3A_79 = tpu.memref_slice %dma_start3A_76[%dma_start3A_77, %dma_start3A_78] : memref<10000x64xf32, #tpu.memory_space<hbm>> -> memref<10000x64xf32, #tpu.memory_space<hbm>>
      tpu.enqueue_indirect_dma source(%dma_start3A_79 : memref<10000x64xf32, #tpu.memory_space<hbm>>) target(%arg9 : memref<128x64xf32, #tpu.memory_space<vmem>>) offsets(%dma_start3A_72 : memref<128xi32, #tpu.memory_space<vmem>>) semaphore(%arg12 : memref<!tpu.dma_semaphore, #tpu.memory_space<semaphore_mem>>)
      %dma_wait3A_80 = arith.constant 0 : i32
      %dma_wait3A_81 = tpu.memref_slice %arg7[%add3A_56, %dma_wait3A_80] : memref<162x128xi32, #tpu.memory_space<vmem>> -> memref<1x128xi32, #tpu.memory_space<vmem>>
      %dma_wait3A_82 = tpu.memref_squeeze %dma_wait3A_81 : memref<1x128xi32, #tpu.memory_space<vmem>> -> memref<128xi32, #tpu.memory_space<vmem>>
      %dma_wait3A_83 = arith.constant 0 : i32
      %dma_wait3A_84 = arith.constant 0 : i32
      %dma_wait3A_85 = tpu.memref_slice %arg2[%arg0, %dma_wait3A_83, %dma_wait3A_84] : memref<2x10000x64xf32, #tpu.memory_space<hbm>> -> memref<1x10000x64xf32, #tpu.memory_space<hbm>>
      %dma_wait3A_86 = tpu.memref_squeeze %dma_wait3A_85 : memref<1x10000x64xf32, #tpu.memory_space<hbm>> -> memref<10000x64xf32, #tpu.memory_space<hbm>>
      %dma_wait3A_87 = arith.constant 0 : i32
      %dma_wait3A_88 = arith.constant 0 : i32
      %dma_wait3A_89 = tpu.memref_slice %dma_wait3A_86[%dma_wait3A_87, %dma_wait3A_88] : memref<10000x64xf32, #tpu.memory_space<hbm>> -> memref<10000x64xf32, #tpu.memory_space<hbm>>
      tpu.wait_indirect_dma semaphore(%arg13 : memref<!tpu.dma_semaphore, #tpu.memory_space<semaphore_mem>>) src(%dma_wait3A_89 : memref<10000x64xf32, #tpu.memory_space<hbm>>) dst(%arg10 : memref<128x64xf32, #tpu.memory_space<vmem>>)
      "tpu.region"() ({
        %run_scoped3A = tpu.sem_alloc : memref<!tpu.dma_semaphore, #tpu.memory_space<semaphore_mem>>
        %dma_start3A_104 = arith.constant 0 : i32
        %dma_start3A_105 = tpu.memref_slice %arg8[%add3A_56, %dma_start3A_104] : memref<162x128xi32, #tpu.memory_space<vmem>> -> memref<1x128xi32, #tpu.memory_space<vmem>>
        %dma_start3A_106 = tpu.memref_squeeze %dma_start3A_105 : memref<1x128xi32, #tpu.memory_space<vmem>> -> memref<128xi32, #tpu.memory_space<vmem>>
        %dma_start3A_107 = arith.constant 0 : i32
        %dma_start3A_108 = arith.constant 0 : i32
        %dma_start3A_109 = tpu.memref_slice %arg11[%dma_start3A_107, %dma_start3A_108] : memref<10112x64xf32, #tpu.memory_space<vmem_shared>> -> memref<10112x64xf32, #tpu.memory_space<vmem_shared>>
        tpu.enqueue_indirect_dma source(%arg10 : memref<128x64xf32, #tpu.memory_space<vmem>>) target(%dma_start3A_109 : memref<10112x64xf32, #tpu.memory_space<vmem_shared>>) offsets(%dma_start3A_106 : memref<128xi32, #tpu.memory_space<vmem>>) semaphore(%run_scoped3A : memref<!tpu.dma_semaphore, #tpu.memory_space<semaphore_mem>>) {add = true}
        %dma_wait3A_110 = arith.constant 0 : i32
        %dma_wait3A_111 = tpu.memref_slice %arg8[%add3A_56, %dma_wait3A_110] : memref<162x128xi32, #tpu.memory_space<vmem>> -> memref<1x128xi32, #tpu.memory_space<vmem>>
        %dma_wait3A_112 = tpu.memref_squeeze %dma_wait3A_111 : memref<1x128xi32, #tpu.memory_space<vmem>> -> memref<128xi32, #tpu.memory_space<vmem>>
        %dma_wait3A_113 = arith.constant 0 : i32
        %dma_wait3A_114 = arith.constant 0 : i32
        %dma_wait3A_115 = tpu.memref_slice %arg11[%dma_wait3A_113, %dma_wait3A_114] : memref<10112x64xf32, #tpu.memory_space<vmem_shared>> -> memref<10112x64xf32, #tpu.memory_space<vmem_shared>>
        tpu.wait_indirect_dma semaphore(%run_scoped3A : memref<!tpu.dma_semaphore, #tpu.memory_space<semaphore_mem>>) src(%arg10 : memref<128x64xf32, #tpu.memory_space<vmem>>) dst(%dma_wait3A_115 : memref<10112x64xf32, #tpu.memory_space<vmem_shared>>)
        tpu.yield
      }) : () -> ()
      %add3A_90 = arith.constant 2 : i32
      %add3A_91 = arith.addi %add3A_56, %add3A_90 : i32
      %min3A_92 = arith.constant 161 : i32
      %min3A_93 = arith.minsi %add3A_91, %min3A_92 : i32
      %dma_start3A_94 = arith.constant 0 : i32
      %dma_start3A_95 = tpu.memref_slice %arg7[%min3A_93, %dma_start3A_94] : memref<162x128xi32, #tpu.memory_space<vmem>> -> memref<1x128xi32, #tpu.memory_space<vmem>>
      %dma_start3A_96 = tpu.memref_squeeze %dma_start3A_95 : memref<1x128xi32, #tpu.memory_space<vmem>> -> memref<128xi32, #tpu.memory_space<vmem>>
      %dma_start3A_97 = arith.constant 0 : i32
      %dma_start3A_98 = arith.constant 0 : i32
      %dma_start3A_99 = tpu.memref_slice %arg2[%arg0, %dma_start3A_97, %dma_start3A_98] : memref<2x10000x64xf32, #tpu.memory_space<hbm>> -> memref<1x10000x64xf32, #tpu.memory_space<hbm>>
      %dma_start3A_100 = tpu.memref_squeeze %dma_start3A_99 : memref<1x10000x64xf32, #tpu.memory_space<hbm>> -> memref<10000x64xf32, #tpu.memory_space<hbm>>
      %dma_start3A_101 = arith.constant 0 : i32
      %dma_start3A_102 = arith.constant 0 : i32
      %dma_start3A_103 = tpu.memref_slice %dma_start3A_100[%dma_start3A_101, %dma_start3A_102] : memref<10000x64xf32, #tpu.memory_space<hbm>> -> memref<10000x64xf32, #tpu.memory_space<hbm>>
      tpu.enqueue_indirect_dma source(%dma_start3A_103 : memref<10000x64xf32, #tpu.memory_space<hbm>>) target(%arg10 : memref<128x64xf32, #tpu.memory_space<vmem>>) offsets(%dma_start3A_96 : memref<128xi32, #tpu.memory_space<vmem>>) semaphore(%arg13 : memref<!tpu.dma_semaphore, #tpu.memory_space<semaphore_mem>>)
    }
    %scan3A_26 = arith.constant 81 : i32
    %dma_wait3A = arith.constant 161 : i32
    %dma_wait3A_27 = arith.constant 0 : i32
    %dma_wait3A_28 = tpu.memref_slice %arg7[%dma_wait3A, %dma_wait3A_27] : memref<162x128xi32, #tpu.memory_space<vmem>> -> memref<1x128xi32, #tpu.memory_space<vmem>>
    %dma_wait3A_29 = tpu.memref_squeeze %dma_wait3A_28 : memref<1x128xi32, #tpu.memory_space<vmem>> -> memref<128xi32, #tpu.memory_space<vmem>>
    %dma_wait3A_30 = arith.constant 0 : i32
    %dma_wait3A_31 = arith.constant 0 : i32
    %dma_wait3A_32 = tpu.memref_slice %arg2[%arg0, %dma_wait3A_30, %dma_wait3A_31] : memref<2x10000x64xf32, #tpu.memory_space<hbm>> -> memref<1x10000x64xf32, #tpu.memory_space<hbm>>
    %dma_wait3A_33 = tpu.memref_squeeze %dma_wait3A_32 : memref<1x10000x64xf32, #tpu.memory_space<hbm>> -> memref<10000x64xf32, #tpu.memory_space<hbm>>
    %dma_wait3A_34 = arith.constant 0 : i32
    %dma_wait3A_35 = arith.constant 0 : i32
    %dma_wait3A_36 = tpu.memref_slice %dma_wait3A_33[%dma_wait3A_34, %dma_wait3A_35] : memref<10000x64xf32, #tpu.memory_space<hbm>> -> memref<10000x64xf32, #tpu.memory_space<hbm>>
    tpu.wait_indirect_dma semaphore(%arg12 : memref<!tpu.dma_semaphore, #tpu.memory_space<semaphore_mem>>) src(%dma_wait3A_36 : memref<10000x64xf32, #tpu.memory_space<hbm>>) dst(%arg9 : memref<128x64xf32, #tpu.memory_space<vmem>>)
    %dma_wait3A_37 = arith.constant 161 : i32
    %dma_wait3A_38 = arith.constant 0 : i32
    %dma_wait3A_39 = tpu.memref_slice %arg7[%dma_wait3A_37, %dma_wait3A_38] : memref<162x128xi32, #tpu.memory_space<vmem>> -> memref<1x128xi32, #tpu.memory_space<vmem>>
    %dma_wait3A_40 = tpu.memref_squeeze %dma_wait3A_39 : memref<1x128xi32, #tpu.memory_space<vmem>> -> memref<128xi32, #tpu.memory_space<vmem>>
    %dma_wait3A_41 = arith.constant 0 : i32
    %dma_wait3A_42 = arith.constant 0 : i32
    %dma_wait3A_43 = tpu.memref_slice %arg2[%arg0, %dma_wait3A_41, %dma_wait3A_42] : memref<2x10000x64xf32, #tpu.memory_space<hbm>> -> memref<1x10000x64xf32, #tpu.memory_space<hbm>>
    %dma_wait3A_44 = tpu.memref_squeeze %dma_wait3A_43 : memref<1x10000x64xf32, #tpu.memory_space<hbm>> -> memref<10000x64xf32, #tpu.memory_space<hbm>>
    %dma_wait3A_45 = arith.constant 0 : i32
    %dma_wait3A_46 = arith.constant 0 : i32
    %dma_wait3A_47 = tpu.memref_slice %dma_wait3A_44[%dma_wait3A_45, %dma_wait3A_46] : memref<10000x64xf32, #tpu.memory_space<hbm>> -> memref<10000x64xf32, #tpu.memory_space<hbm>>
    tpu.wait_indirect_dma semaphore(%arg13 : memref<!tpu.dma_semaphore, #tpu.memory_space<semaphore_mem>>) src(%dma_wait3A_47 : memref<10000x64xf32, #tpu.memory_space<hbm>>) dst(%arg10 : memref<128x64xf32, #tpu.memory_space<vmem>>)
    %barrier3A_48 = arith.constant 0 : index
    tpu.barrier barrier_id(%barrier3A_48)
    %mul3A_49 = arith.constant 632 : i32
    %mul3A_50 = arith.muli %arg1, %mul3A_49 : i32
    %mul3A_51 = arith.constant 632 : i32
    %mul3A_52 = arith.muli %arg1, %mul3A_51 : i32
    "tpu.region"() ({
      %run_scoped3A = tpu.sem_alloc : memref<!tpu.dma_semaphore, #tpu.memory_space<semaphore_mem>>
      %dma_start3A_53 = arith.constant 0 : i32
      %dma_start3A_54 = tpu.memref_slice %arg6[%arg0, %mul3A_52, %dma_start3A_53] : memref<2x10112x64xf32, #tpu.memory_space<hbm>> -> memref<1x632x64xf32, #tpu.memory_space<hbm>>
      %dma_start3A_55 = tpu.memref_squeeze %dma_start3A_54 : memref<1x632x64xf32, #tpu.memory_space<hbm>> -> memref<632x64xf32, #tpu.memory_space<hbm>>
      %dma_start3A_56 = arith.constant 0 : i32
      %dma_start3A_57 = tpu.memref_slice %arg11[%mul3A_50, %dma_start3A_56] : memref<10112x64xf32, #tpu.memory_space<vmem_shared>> -> memref<632x64xf32, #tpu.memory_space<vmem_shared>>
      tpu.enqueue_dma source(%dma_start3A_57 : memref<632x64xf32, #tpu.memory_space<vmem_shared>>) target(%dma_start3A_55 : memref<632x64xf32, #tpu.memory_space<hbm>>) target_semaphore(%run_scoped3A : memref<!tpu.dma_semaphore, #tpu.memory_space<semaphore_mem>>)
      %dma_wait3A_58 = arith.constant 0 : i32
      %dma_wait3A_59 = tpu.memref_slice %arg6[%arg0, %mul3A_52, %dma_wait3A_58] : memref<2x10112x64xf32, #tpu.memory_space<hbm>> -> memref<1x632x64xf32, #tpu.memory_space<hbm>>
      %dma_wait3A_60 = tpu.memref_squeeze %dma_wait3A_59 : memref<1x632x64xf32, #tpu.memory_space<hbm>> -> memref<632x64xf32, #tpu.memory_space<hbm>>
      %dma_wait3A_61 = arith.constant 0 : i32
      %dma_wait3A_62 = tpu.memref_slice %arg11[%mul3A_50, %dma_wait3A_61] : memref<10112x64xf32, #tpu.memory_space<vmem_shared>> -> memref<632x64xf32, #tpu.memory_space<vmem_shared>>
      tpu.wait_dma2 semaphore(%run_scoped3A : memref<!tpu.dma_semaphore, #tpu.memory_space<semaphore_mem>>) src(%dma_wait3A_62 : memref<632x64xf32, #tpu.memory_space<vmem_shared>>) dst(%dma_wait3A_60 : memref<632x64xf32, #tpu.memory_space<hbm>>)
      tpu.yield
    }) : () -> ()
    return
  }
}

module attributes {stable_mosaic.version = 14 : i64} {
  func.func @_tc_scale_body(%arg0: i32, %arg1: memref<2x1000x16xf32, #tpu.memory_space<vmem>>, %arg2: memref<1000x128xf32, #tpu.memory_space<vmem>>, %arg3: memref<2x1000x64xf32, #tpu.memory_space<vmem>>, %arg4: memref<1000x128xf32, #tpu.memory_space<vmem>>) attributes {dimension_semantics = [#tpu.dimension_semantics<arbitrary>], iteration_bounds = array<i64: 10>, scalar_prefetch = 0 : i64, scratch_operands = 0 : i64, tpu.core_type = #tpu.core_type<tc>, window_params = [{transform_indices = @transform_0, window_bounds = array<i64: 2, 1000, 16>}, {transform_indices = @transform_1, window_bounds = array<i64: 1000, 128>}, {transform_indices = @transform_2, window_bounds = array<i64: 2, 1000, 64>}, {transform_indices = @transform_3, window_bounds = array<i64: 1000, 128>}]} {
    %get3A = arith.constant 0 : index
    %get3A_0 = arith.constant 0 : index
    %get3A_1 = arith.constant 0 : index
    %get3A_2 = vector.load %arg1[%get3A, %get3A_0, %get3A_1] : memref<2x1000x16xf32, #tpu.memory_space<vmem>>, vector<1x1000x16xf32>
    %get3A_3 = vector.shape_cast %get3A_2 : vector<1x1000x16xf32> to vector<1000x16xf32>
    %get3A_4 = arith.constant 1 : index
    %get3A_5 = arith.constant 0 : index
    %get3A_6 = arith.constant 0 : index
    %get3A_7 = vector.load %arg1[%get3A_4, %get3A_5, %get3A_6] : memref<2x1000x16xf32, #tpu.memory_space<vmem>>, vector<1x1000x16xf32>
    %get3A_8 = vector.shape_cast %get3A_7 : vector<1x1000x16xf32> to vector<1000x16xf32>
    %add3A = arith.addf %get3A_3, %get3A_8 : vector<1000x16xf32>
    %slice3A = vector.extract_strided_slice %add3A {offsets = [0, 0], sizes = [1000, 1], strides = [1, 1]} : vector<1000x16xf32> to vector<1000x1xf32>
    %gt3A = arith.constant 0.000000e+00 : f32
    %gt3A_9 = vector.broadcast %gt3A : f32 to vector<1000x1xf32>
    %gt3A_10 = arith.cmpf ogt, %slice3A, %gt3A_9 : vector<1000x1xf32>
    %max3A = arith.constant 9.99999996E-13 : f32
    %max3A_11 = vector.broadcast %max3A : f32 to vector<1000x1xf32>
    %max3A_12 = arith.maximumf %slice3A, %max3A_11 : vector<1000x1xf32>
    %rsqrt3A = math.rsqrt %max3A_12 : vector<1000x1xf32>
    %jit3A = arith.constant 0.000000e+00 : f32
    %broadcast_in_dim3A = vector.broadcast %jit3A : f32 to vector<1000x1xf32>
    %select_n3A = arith.select %gt3A_10, %rsqrt3A, %broadcast_in_dim3A : vector<1000x1xi1>, vector<1000x1xf32>
    %broadcast_in_dim3A_13 = vector.shape_cast %select_n3A : vector<1000x1xf32> to vector<1000x1xf32>
    %broadcast_in_dim3A_14 = vector.broadcast %broadcast_in_dim3A_13 : vector<1000x1xf32> to vector<1000x128xf32>
    %swap3A = arith.constant 0 : index
    %swap3A_15 = arith.constant 0 : index
    %swap3A_16 = vector.load %arg4[%swap3A, %swap3A_15] : memref<1000x128xf32, #tpu.memory_space<vmem>>, vector<1000x128xf32>
    tpu.vector_store %arg4[%swap3A, %swap3A_15], %broadcast_in_dim3A_14 {strides = array<i32>} : memref<1000x128xf32, #tpu.memory_space<vmem>>, vector<1000x128xf32>,
    %get3A_17 = arith.constant 0 : index
    %get3A_18 = arith.constant 0 : index
    %get3A_19 = vector.load %arg2[%get3A_17, %get3A_18] : memref<1000x128xf32, #tpu.memory_space<vmem>>, vector<1000x128xf32>
    %mul3A = arith.mulf %get3A_19, %broadcast_in_dim3A_14 : vector<1000x128xf32>
    %slice3A_20 = vector.extract_strided_slice %mul3A {offsets = [0, 0], sizes = [1000, 64], strides = [1, 1]} : vector<1000x128xf32> to vector<1000x64xf32>
    %swap3A_21 = arith.constant 0 : index
    %swap3A_22 = arith.constant 0 : index
    %swap3A_23 = arith.constant 0 : index
    %swap3A_24 = vector.load %arg3[%swap3A_21, %swap3A_22, %swap3A_23] : memref<2x1000x64xf32, #tpu.memory_space<vmem>>, vector<1x1000x64xf32>
    %swap3A_25 = vector.shape_cast %swap3A_24 : vector<1x1000x64xf32> to vector<1000x64xf32>
    %swap3A_26 = vector.shape_cast %slice3A_20 : vector<1000x64xf32> to vector<1x1000x64xf32>
    tpu.vector_store %arg3[%swap3A_21, %swap3A_22, %swap3A_23], %swap3A_26 {strides = array<i32>} : memref<2x1000x64xf32, #tpu.memory_space<vmem>>, vector<1x1000x64xf32>,
    %slice3A_27 = vector.extract_strided_slice %mul3A {offsets = [0, 64], sizes = [1000, 64], strides = [1, 1]} : vector<1000x128xf32> to vector<1000x64xf32>
    %swap3A_28 = arith.constant 1 : index
    %swap3A_29 = arith.constant 0 : index
    %swap3A_30 = arith.constant 0 : index
    %swap3A_31 = vector.load %arg3[%swap3A_28, %swap3A_29, %swap3A_30] : memref<2x1000x64xf32, #tpu.memory_space<vmem>>, vector<1x1000x64xf32>
    %swap3A_32 = vector.shape_cast %swap3A_31 : vector<1x1000x64xf32> to vector<1000x64xf32>
    %swap3A_33 = vector.shape_cast %slice3A_27 : vector<1000x64xf32> to vector<1x1000x64xf32>
    tpu.vector_store %arg3[%swap3A_28, %swap3A_29, %swap3A_30], %swap3A_33 {strides = array<i32>} : memref<2x1000x64xf32, #tpu.memory_space<vmem>>, vector<1x1000x64xf32>,
    return
  }
  func.func @transform_0(%arg0: i32) -> (i32, i32, i32) {
    %c0_i32 = arith.constant 0 : i32
    %c0_i32_0 = arith.constant 0 : i32
    %c0_i32_1 = arith.constant 0 : i32
    return %c0_i32, %arg0, %c0_i32_0 : i32, i32, i32
  }
  func.func @transform_1(%arg0: i32) -> (i32, i32) {
    %c0_i32 = arith.constant 0 : i32
    %c0_i32_0 = arith.constant 0 : i32
    return %arg0, %c0_i32 : i32, i32
  }
  func.func @transform_2(%arg0: i32) -> (i32, i32, i32) {
    %c0_i32 = arith.constant 0 : i32
    %c0_i32_0 = arith.constant 0 : i32
    %c0_i32_1 = arith.constant 0 : i32
    return %c0_i32, %arg0, %c0_i32_0 : i32, i32, i32
  }
  func.func @transform_3(%arg0: i32) -> (i32, i32) {
    %c0_i32 = arith.constant 0 : i32
    %c0_i32_0 = arith.constant 0 : i32
    return %arg0, %c0_i32 : i32, i32
  }
}

module attributes {stable_mosaic.version = 14 : i64} {
  func.func @_tc_mm_body(%arg0: i32, %arg1: memref<2x1000x64xf32, #tpu.memory_space<vmem>>, %arg2: memref<1000x128xf32, #tpu.memory_space<vmem>>, %arg3: memref<128x128xf32, #tpu.memory_space<vmem>>, %arg4: memref<1x128xf32, #tpu.memory_space<vmem>>, %arg5: memref<2x1000x64xf32, #tpu.memory_space<vmem>>) attributes {dimension_semantics = [#tpu.dimension_semantics<arbitrary>], iteration_bounds = array<i64: 10>, scalar_prefetch = 0 : i64, scratch_operands = 0 : i64, tpu.core_type = #tpu.core_type<tc>, window_params = [{transform_indices = @transform_0, window_bounds = array<i64: 2, 1000, 64>}, {transform_indices = @transform_1, window_bounds = array<i64: 1000, 128>}, {pipeline_mode = #tpu.pipeline_mode<synchronous>, transform_indices = @transform_2, window_bounds = array<i64: 128, 128>}, {pipeline_mode = #tpu.pipeline_mode<synchronous>, transform_indices = @transform_3, window_bounds = array<i64: 1, 128>}, {transform_indices = @transform_4, window_bounds = array<i64: 2, 1000, 64>}]} {
    %get3A = arith.constant 0 : index
    %get3A_0 = arith.constant 0 : index
    %get3A_1 = vector.load %arg2[%get3A, %get3A_0] : memref<1000x128xf32, #tpu.memory_space<vmem>>, vector<1000x128xf32>
    %get3A_2 = arith.constant 0 : index
    %get3A_3 = arith.constant 0 : index
    %get3A_4 = arith.constant 0 : index
    %get3A_5 = vector.load %arg1[%get3A_2, %get3A_3, %get3A_4] : memref<2x1000x64xf32, #tpu.memory_space<vmem>>, vector<1x1000x64xf32>
    %get3A_6 = vector.shape_cast %get3A_5 : vector<1x1000x64xf32> to vector<1000x64xf32>
    %get3A_7 = arith.constant 1 : index
    %get3A_8 = arith.constant 0 : index
    %get3A_9 = arith.constant 0 : index
    %get3A_10 = vector.load %arg1[%get3A_7, %get3A_8, %get3A_9] : memref<2x1000x64xf32, #tpu.memory_space<vmem>>, vector<1x1000x64xf32>
    %get3A_11 = vector.shape_cast %get3A_10 : vector<1x1000x64xf32> to vector<1000x64xf32>
    %concatenate3A = tpu.concatenate %get3A_6, %get3A_11 in 1 : vector<1000x64xf32>, vector<1000x64xf32> -> vector<1000x128xf32>
    %mul3A = arith.mulf %concatenate3A, %get3A_1 : vector<1000x128xf32>
    %get3A_12 = arith.constant 0 : index
    %get3A_13 = arith.constant 0 : index
    %get3A_14 = vector.load %arg3[%get3A_12, %get3A_13] : memref<128x128xf32, #tpu.memory_space<vmem>>, vector<128x128xf32>
    %dot_general3A = arith.constant dense<0.000000e+00> : vector<1000x128xf32>
    %dot_general3A_15 = tpu.matmul %mul3A, %get3A_14, %dot_general3A {dimension_numbers = #tpu.dot_dimension_numbers<[1], [0], [0], [1], [0, 0, 1, 1], [], []>, transpose_lhs_hint = false} : vector<1000x128xf32>, vector<128x128xf32>, vector<1000x128xf32> -> vector<1000x128xf32>
    %get3A_16 = arith.constant 0 : index
    %get3A_17 = arith.constant 0 : index
    %get3A_18 = vector.load %arg4[%get3A_16, %get3A_17] : memref<1x128xf32, #tpu.memory_space<vmem>>, vector<1x128xf32>
    %add3A = vector.broadcast %get3A_18 : vector<1x128xf32> to vector<1000x128xf32>
    %add3A_19 = arith.addf %dot_general3A_15, %add3A : vector<1000x128xf32>
    %max3A = arith.constant 0.000000e+00 : f32
    %max3A_20 = vector.broadcast %max3A : f32 to vector<1000x128xf32>
    %max3A_21 = arith.maximumf %add3A_19, %max3A_20 : vector<1000x128xf32>
    %mul3A_22 = arith.mulf %max3A_21, %get3A_1 : vector<1000x128xf32>
    %slice3A = vector.extract_strided_slice %mul3A_22 {offsets = [0, 0], sizes = [1000, 64], strides = [1, 1]} : vector<1000x128xf32> to vector<1000x64xf32>
    %swap3A = arith.constant 0 : index
    %swap3A_23 = arith.constant 0 : index
    %swap3A_24 = arith.constant 0 : index
    %swap3A_25 = vector.load %arg5[%swap3A, %swap3A_23, %swap3A_24] : memref<2x1000x64xf32, #tpu.memory_space<vmem>>, vector<1x1000x64xf32>
    %swap3A_26 = vector.shape_cast %swap3A_25 : vector<1x1000x64xf32> to vector<1000x64xf32>
    %swap3A_27 = vector.shape_cast %slice3A : vector<1000x64xf32> to vector<1x1000x64xf32>
    tpu.vector_store %arg5[%swap3A, %swap3A_23, %swap3A_24], %swap3A_27 {strides = array<i32>} : memref<2x1000x64xf32, #tpu.memory_space<vmem>>, vector<1x1000x64xf32>,
    %slice3A_28 = vector.extract_strided_slice %mul3A_22 {offsets = [0, 64], sizes = [1000, 64], strides = [1, 1]} : vector<1000x128xf32> to vector<1000x64xf32>
    %swap3A_29 = arith.constant 1 : index
    %swap3A_30 = arith.constant 0 : index
    %swap3A_31 = arith.constant 0 : index
    %swap3A_32 = vector.load %arg5[%swap3A_29, %swap3A_30, %swap3A_31] : memref<2x1000x64xf32, #tpu.memory_space<vmem>>, vector<1x1000x64xf32>
    %swap3A_33 = vector.shape_cast %swap3A_32 : vector<1x1000x64xf32> to vector<1000x64xf32>
    %swap3A_34 = vector.shape_cast %slice3A_28 : vector<1000x64xf32> to vector<1x1000x64xf32>
    tpu.vector_store %arg5[%swap3A_29, %swap3A_30, %swap3A_31], %swap3A_34 {strides = array<i32>} : memref<2x1000x64xf32, #tpu.memory_space<vmem>>, vector<1x1000x64xf32>,
    return
  }
  func.func @transform_0(%arg0: i32) -> (i32, i32, i32) {
    %c0_i32 = arith.constant 0 : i32
    %c0_i32_0 = arith.constant 0 : i32
    %c0_i32_1 = arith.constant 0 : i32
    return %c0_i32, %arg0, %c0_i32_0 : i32, i32, i32
  }
  func.func @transform_1(%arg0: i32) -> (i32, i32) {
    %c0_i32 = arith.constant 0 : i32
    %c0_i32_0 = arith.constant 0 : i32
    return %arg0, %c0_i32 : i32, i32
  }
  func.func @transform_2(%arg0: i32) -> (i32, i32) {
    %c0_i32 = arith.constant 0 : i32
    %c0_i32_0 = arith.constant 0 : i32
    %c0_i32_1 = arith.constant 0 : i32
    return %c0_i32, %c0_i32_0 : i32, i32
  }
  func.func @transform_3(%arg0: i32) -> (i32, i32) {
    %c0_i32 = arith.constant 0 : i32
    %c0_i32_0 = arith.constant 0 : i32
    %c0_i32_1 = arith.constant 0 : i32
    return %c0_i32, %c0_i32_0 : i32, i32
  }
  func.func @transform_4(%arg0: i32) -> (i32, i32, i32) {
    %c0_i32 = arith.constant 0 : i32
    %c0_i32_0 = arith.constant 0 : i32
    %c0_i32_1 = arith.constant 0 : i32
    return %c0_i32, %arg0, %c0_i32_0 : i32, i32, i32
  }
}

module attributes {stable_mosaic.version = 14 : i64} {
  func.func @_tc_mm_body(%arg0: i32, %arg1: memref<2x1000x64xf32, #tpu.memory_space<vmem>>, %arg2: memref<1000x128xf32, #tpu.memory_space<vmem>>, %arg3: memref<128x128xf32, #tpu.memory_space<vmem>>, %arg4: memref<1x128xf32, #tpu.memory_space<vmem>>, %arg5: memref<1000x128xf32, #tpu.memory_space<vmem>>) attributes {dimension_semantics = [#tpu.dimension_semantics<arbitrary>], iteration_bounds = array<i64: 10>, scalar_prefetch = 0 : i64, scratch_operands = 0 : i64, tpu.core_type = #tpu.core_type<tc>, window_params = [{transform_indices = @transform_0, window_bounds = array<i64: 2, 1000, 64>}, {transform_indices = @transform_1, window_bounds = array<i64: 1000, 128>}, {pipeline_mode = #tpu.pipeline_mode<synchronous>, transform_indices = @transform_2, window_bounds = array<i64: 128, 128>}, {pipeline_mode = #tpu.pipeline_mode<synchronous>, transform_indices = @transform_3, window_bounds = array<i64: 1, 128>}, {transform_indices = @transform_4, window_bounds = array<i64: 1000, 128>}]} {
    %get3A = arith.constant 0 : index
    %get3A_0 = arith.constant 0 : index
    %get3A_1 = vector.load %arg2[%get3A, %get3A_0] : memref<1000x128xf32, #tpu.memory_space<vmem>>, vector<1000x128xf32>
    %get3A_2 = arith.constant 0 : index
    %get3A_3 = arith.constant 0 : index
    %get3A_4 = arith.constant 0 : index
    %get3A_5 = vector.load %arg1[%get3A_2, %get3A_3, %get3A_4] : memref<2x1000x64xf32, #tpu.memory_space<vmem>>, vector<1x1000x64xf32>
    %get3A_6 = vector.shape_cast %get3A_5 : vector<1x1000x64xf32> to vector<1000x64xf32>
    %get3A_7 = arith.constant 1 : index
    %get3A_8 = arith.constant 0 : index
    %get3A_9 = arith.constant 0 : index
    %get3A_10 = vector.load %arg1[%get3A_7, %get3A_8, %get3A_9] : memref<2x1000x64xf32, #tpu.memory_space<vmem>>, vector<1x1000x64xf32>
    %get3A_11 = vector.shape_cast %get3A_10 : vector<1x1000x64xf32> to vector<1000x64xf32>
    %concatenate3A = tpu.concatenate %get3A_6, %get3A_11 in 1 : vector<1000x64xf32>, vector<1000x64xf32> -> vector<1000x128xf32>
    %mul3A = arith.mulf %concatenate3A, %get3A_1 : vector<1000x128xf32>
    %get3A_12 = arith.constant 0 : index
    %get3A_13 = arith.constant 0 : index
    %get3A_14 = vector.load %arg3[%get3A_12, %get3A_13] : memref<128x128xf32, #tpu.memory_space<vmem>>, vector<128x128xf32>
    %dot_general3A = arith.constant dense<0.000000e+00> : vector<1000x128xf32>
    %dot_general3A_15 = tpu.matmul %mul3A, %get3A_14, %dot_general3A {dimension_numbers = #tpu.dot_dimension_numbers<[1], [0], [0], [1], [0, 0, 1, 1], [], []>, transpose_lhs_hint = false} : vector<1000x128xf32>, vector<128x128xf32>, vector<1000x128xf32> -> vector<1000x128xf32>
    %get3A_16 = arith.constant 0 : index
    %get3A_17 = arith.constant 0 : index
    %get3A_18 = vector.load %arg4[%get3A_16, %get3A_17] : memref<1x128xf32, #tpu.memory_space<vmem>>, vector<1x128xf32>
    %add3A = vector.broadcast %get3A_18 : vector<1x128xf32> to vector<1000x128xf32>
    %add3A_19 = arith.addf %dot_general3A_15, %add3A : vector<1000x128xf32>
    %swap3A = arith.constant 0 : index
    %swap3A_20 = arith.constant 0 : index
    %swap3A_21 = vector.load %arg5[%swap3A, %swap3A_20] : memref<1000x128xf32, #tpu.memory_space<vmem>>, vector<1000x128xf32>
    tpu.vector_store %arg5[%swap3A, %swap3A_20], %add3A_19 {strides = array<i32>} : memref<1000x128xf32, #tpu.memory_space<vmem>>, vector<1000x128xf32>,
    return
  }
  func.func @transform_0(%arg0: i32) -> (i32, i32, i32) {
    %c0_i32 = arith.constant 0 : i32
    %c0_i32_0 = arith.constant 0 : i32
    %c0_i32_1 = arith.constant 0 : i32
    return %c0_i32, %arg0, %c0_i32_0 : i32, i32, i32
  }
  func.func @transform_1(%arg0: i32) -> (i32, i32) {
    %c0_i32 = arith.constant 0 : i32
    %c0_i32_0 = arith.constant 0 : i32
    return %arg0, %c0_i32 : i32, i32
  }
  func.func @transform_2(%arg0: i32) -> (i32, i32) {
    %c0_i32 = arith.constant 0 : i32
    %c0_i32_0 = arith.constant 0 : i32
    %c0_i32_1 = arith.constant 0 : i32
    return %c0_i32, %c0_i32_0 : i32, i32
  }
  func.func @transform_3(%arg0: i32) -> (i32, i32) {
    %c0_i32 = arith.constant 0 : i32
    %c0_i32_0 = arith.constant 0 : i32
    %c0_i32_1 = arith.constant 0 : i32
    return %c0_i32, %c0_i32_0 : i32, i32
  }
  func.func @transform_4(%arg0: i32) -> (i32, i32) {
    %c0_i32 = arith.constant 0 : i32
    %c0_i32_0 = arith.constant 0 : i32
    return %arg0, %c0_i32 : i32, i32
  }
}

</mosaic_0001>

<sc_bundles>
// kernel: kernel.11.cloned.1.call-start
scs
__scs_entry_jumppad:
0x0: {  	(pc) =	sbr.rel $0x88, $3  }
0x1: {  	(tag) =	ssettag $0x0;
	lr =	simm.s32 $0x1  }
0x2: {  	[smem:$0x3F9B] =	sst lr;
	_ =	strace $0xD0000000  }
0x3: {  	_ = 	snop  }
0x4: {  	_ = 	snop  }
0x5: {  	_ = 	snop  }
0x6: {  	_ = 	snop  }
0x7: {  	_ = 	snop  }
__scs_overlays_trampoline_lowered:
0x8: {  	[smem:$0x3FAA] =	sst s0  }
0x9: {  	[smem:$0x3FAB] =	sst s1  }
0xa: {  	[smem:$0x3FAC] =	sst s2  }
0xb: {  	[smem:$0x3FAD] =	sst s3  }
0xc: {  	[smem:$0x3FAE] =	sst s4  }
0xd: {  	[smem:$0x3FAF] =	sst s5  }
0xe: {  	[smem:$0x3FB0] =	sst s6  }
0xf: {  	[smem:$0x3FB1] =	sst s7  }
0x10: {  	[smem:$0x3FB2] =	sst s8  }
0x11: {  	[smem:$0x3FB3] =	sst s9;
	s0 =	simm.s32 @!p0 $0x0  }
0x12: {  	s1 =	sld [smem:$0x3F99];
	s0 =	simm.s32 @p0 $0x1  }
0x13: {  	[smem:$0x3FB4] =	sst s0;
	s0 =	simm.s32 @!p1 $0x0  }
0x14: {  	s2 =	sld [smem:$0x3F98];
	s0 =	simm.s32 @p1 $0x1  }
0x15: {  	[smem:$0x3FB5] =	sst s0;
	s0 =	simm.s32 @!p2 $0x0  }
0x16: {  	s3 =	sld [smem:$0x3FDB];
	s0 =	simm.s32 @p2 $0x1  }
0x17: {  	s4 =	simm.s32 $0x1BF5;
	[smem:$0x3FB7] =	sst s0  }
0x18: {  	s0 =	sld [smem:$0x3F9A];
	_ =	swait.ge [sflag:s4], $0x0  }
0x19: {  	s7 =	sld [smem:$0x3F9B]  }
0x1a: {  	s8 =	sadd.s32 $0xFFFFE003, lr  }
0x1b: {  	s9 =	sadd.s32 $0xFFFFFEF7, lr;
	s5 =	simm.s32 $0xFFFFFFFF;
	p2 =	slt.u32 s8, $0xFFFFF086  }
0x1c: {  	p1 =	slt.u32 s9, $0xF7A;
	s5 =	simm.s32 @!p2 $0x0  }
0x1d: {  	s5 =	simm.s32 @p1 $0x1;
	p0 =	seq.s32 s7, s2  }
0x1e: {  	s7 =	smul.u32 @!p0 $0xF7A, s2;
	p2 =	seq.s32 @!p0 s5, $0x0  }
0x1f: {  	s9 =	smul.u32 $0xF7A, s1;
	s8 =	simm.s32 @!p0 $0x1BF5;
	p2 =	por !p2, p0  }
0x20: {  	[sflag:s8] =	ssyncset.s32 @!p0 $0xFFFFF086;
	s6 =	sadd.s32 @!p0 s3, s7;
	s7 =	simm.s32 @!p0 $0x108  }
0x21: {  	s3 =	sadd.s32 s3, s9;
	s6 =	sadd.s32 @!p0 $0x88, s6;
	s7 =	simm.s32 @p2 $0x1082  }
0x22: {  	[simem:s7], [sflag:s8] =	dma.local @!p0 [hbm:s6], $0xF7A  }
0x23: {  	s9 =	sor.u32 $0xD0000000, s2;
	s6 =	simm.s32 $0x108;
	_ =	swait.ge @!p0 [sflag:s8], $0x0  }
0x24: {  	s3 =	sadd.s32 $0x88, s3;
	s6 =	simm.s32 @!p1 $0x1082;
	[sflag:s4] =	ssyncset.s32 $0xFFFFF086  }
0x25: {  	[simem:s6], [sflag:s4] =	dma.local [hbm:s3], $0xF7A  }
0x26: {  	[smem:$0x3F9B] =	sst s1;
	(tag) =	ssettag s2;
	_ =	strace s9  }
0x27: {  	s1 =	sld [smem:$0x3FAB]  }
0x28: {  	s2 =	sld [smem:$0x3FAC]  }
0x29: {  	s4 =	sld [smem:$0x3FAE]  }
0x2a: {  	p0 =	seq.s32 s5, $0x0;
	s5 =	sld [smem:$0x3FAF]  }
0x2b: {  	s6 =	sld [smem:$0x3FB0]  }
0x2c: {  	s7 =	sld [smem:$0x3FB1]  }
0x2d: {  	s3 =	simm.s32 $0x108;
	s8 =	sld [smem:$0x3FB2]  }
0x2e: {  	s3 =	simm.s32 @!p0 $0x1082;
	s9 =	sld [smem:$0x3FB3]  }
0x2f: {  	lr =	sadd.s32 s0, s3;
	s0 =	sld [smem:$0x3FAA]  }
0x30: {  	s3 =	sld [smem:$0x3FAD]  }
0x31: {  	[smem:$0x3FB6] =	sst s10  }
0x32: {  	s10 =	sld [smem:$0x3FB4];
	_ =	sdelay $0x3  }
0x33: {  	p0 =	seq.s32 s10, $0x1;
	s10 =	sld [smem:$0x3FB6];
	_ =	sdelay $0x3  }
0x34: {  	[smem:$0x3FB6] =	sst s10  }
0x35: {  	s10 =	sld [smem:$0x3FB5];
	_ =	sdelay $0x3  }
0x36: {  	p1 =	seq.s32 s10, $0x1;
	s10 =	sld [smem:$0x3FB6];
	_ =	sdelay $0x3  }
0x37: {  	[smem:$0x3FB6] =	sst s10  }
0x38: {  	s10 =	sld [smem:$0x3FB7]  }
0x39: {  	_ = 	snop;
	(pc) =	sbr.ind lr, $3  }
0x3a: {  	_ = 	snop  }
0x3b: {  	_ = 	snop  }
0x3c: {  	p2 =	seq.s32 s10, $0x1;
	s10 =	sld [smem:$0x3FB6]  }
0x3d: {  	_ =	shalt  }
0x3e: {  	_ =	shalt  }
0x3f: {  	_ =	shalt  }
0x40: {  	_ =	shalt  }
0x41: {  	_ =	shalt  }
0x42: {  	_ =	shalt  }
0x43: {  	_ =	shalt  }
0x44: {  	_ =	shalt  }
0x45: {  	_ =	shalt  }
0x46: {  	_ =	shalt  }
0x47: {  	_ =	shalt  }
0x48: {  	_ =	shalt  }
0x49: {  	_ =	shalt  }
0x4a: {  	_ =	shalt  }
0x4b: {  	_ =	shalt  }
0x4c: {  	_ =	shalt  }
0x4d: {  	_ =	shalt  }
0x4e: {  	_ =	shalt  }
0x4f: {  	_ =	shalt  }
0x50: {  	_ =	shalt  }
0x51: {  	_ =	shalt  }
0x52: {  	_ =	shalt  }
0x53: {  	_ =	shalt  }
0x54: {  	_ =	shalt  }
0x55: {  	_ =	shalt  }
0x56: {  	_ =	shalt  }
0x57: {  	_ =	shalt  }
0x58: {  	_ =	shalt  }
0x59: {  	_ =	shalt  }
0x5a: {  	_ =	shalt  }
0x5b: {  	_ =	shalt  }
0x5c: {  	_ =	shalt  }
0x5d: {  	_ =	shalt  }
0x5e: {  	_ =	shalt  }
0x5f: {  	_ =	shalt  }
0x60: {  	_ =	shalt  }
0x61: {  	_ =	shalt  }
0x62: {  	_ =	shalt  }
0x63: {  	_ =	shalt  }
0x64: {  	_ =	shalt  }
0x65: {  	_ =	shalt  }
0x66: {  	_ =	shalt  }
0x67: {  	_ =	shalt  }
0x68: {  	_ =	shalt  }
0x69: {  	_ =	shalt  }
0x6a: {  	_ =	shalt  }
0x6b: {  	_ =	shalt  }
0x6c: {  	_ =	shalt  }
0x6d: {  	_ =	shalt  }
0x6e: {  	_ =	shalt  }
0x6f: {  	_ =	shalt  }
0x70: {  	_ =	shalt  }
0x71: {  	_ =	shalt  }
0x72: {  	_ =	shalt  }
0x73: {  	_ =	shalt  }
0x74: {  	_ =	shalt  }
0x75: {  	_ =	shalt  }
0x76: {  	_ =	shalt  }
0x77: {  	_ =	shalt  }
0x78: {  	_ =	shalt  }
0x79: {  	_ =	shalt  }
0x7a: {  	_ =	shalt  }
0x7b: {  	_ =	shalt  }
0x7c: {  	_ =	shalt  }
0x7d: {  	_ =	shalt  }
0x7e: {  	_ =	shalt  }
0x7f: {  	_ =	shalt  }
0x80: {  	_ =	shalt  }
0x81: {  	_ =	shalt  }
0x82: {  	_ =	shalt  }
0x83: {  	_ =	shalt  }
0x84: {  	_ =	shalt  }
0x85: {  	_ =	shalt  }
0x86: {  	_ =	shalt  }
0x87: {  	_ =	shalt  }
.Lfunc_end0:
.L_simem_size_0:
called_computation.1_lowered:
.L_overlay_start_0:
0x88: {  	s2 =	sld [smem:$0x3FD9]  }
0x89: {  	s3 =	sld [smem:$0x3FFE];
	_ =	sdelay $0x1  }
0x8a: {  	s1 =	srdreg.scid  }
0x8b: {  	s0 =	sand.u32 $0x1, s1  }
0x8c: {  	s17 =	sshll.u32 s0, $0xA;
	s2 =	sadd.s32 s3, s2  }
0x8d: {  	s2 =	sadd.s32 s2, s17  }
0x8e: {  	[smem:$0x3FC2] =	sst s2  }
0x8f: {  	_ = 	snop  }
0x90: {  	s2 =	sld [smem:$0x3FD0];
	(tm) =	ssettm $0x1  }
0x91: {  	s18 =	sld [smem:$0x3FFB];
	_ =	sdelay $0x3  }
0x92: {  	_ =	strace s18  }
0x93: {  	s3 =	sld [smem:$0x3FFC];
	_ =	sdelay $0x3  }
0x94: {  	_ =	strace s3  }
0x95: {  	s3 =	sld [smem:$0x3FFD];
	_ =	sdelay $0x3  }
0x96: {  	_ =	strace s3  }
0x97: {  	_ =	strace $0x8FFFFFFF  }
0x98: {  	s19 =	sld [smem:$0x3FDB];
	_ =	sdelay $0x1  }
0x99: {  	s4 =	simm.s32 $_scs_section_size  }
0x9a: {  	s5 =	simm.s32 $_size__tile_overlayer_lowered;
	s6 =	simm.s32 $_tile_overlayer_lowered  }
0x9b: {  	s22 =	simm.s32 $0x1BFF;
	s21 =	sshll.u32 s6, $0x1;
	s3 =	sadd.s32 s4, s19  }
0x9c: {  	s7 =	simm.s32 $0x0;
	s20 =	sshll.u32 s5, $0x1;
	s5 =	sadd.s32 s21, s3  }
0x9d: {  	[timem:s7], [sflag:s22] =	dma.local [hbm:s5], s20  }
0x9e: {  	_ =	swait.ge [sflag:s22], s20  }
0x9f: {  	s4 =	ssub.s32 $0x0, s20;
	[sflag:s22] =	ssyncset.done $0x0  }
0xa0: {  	[sflag:s22] =	ssyncadd.s32 s4;
	_ =	sdelay $0x1  }
0xa1: {  	s23 =	simm.s32 $0x1B8B  }
0xa2: {  	_ =	swait.ge [sflag:s23], $0x1  }
0xa3: {  	[sflag:s23] =	ssyncset.done $0x0  }
0xa4: {  	s25 =	simm.s32 $0x1B8E;
	s24 =	sld [smem:$0x3FFE];
	[sflag:s23] =	ssyncadd.s32 $0xFFFFFFFF  }
0xa5: {  	s26 =	simm.s32 $execute0_lowered;
	[smem:$0x3FD2] =	sst s25  }
0xa6: {  	s5 =	sshll.u32 s26, $0x1;
	_ =	strace $0x80000049;
	[dreg:$0x1] =	wrdreg $0xFFFFFFFF  }
0xa7: {  	s28 =	simm.s32 $_size_execute0_lowered;
	s3 =	sadd.s32 s3, s5;
	[dreg:$0x0] =	wrdreg $0x0  }
0xa8: {  	s5 =	sshll.u32 s28, $0x1;
	[dreg:$0x2] =	wrdreg s3  }
0xa9: {  	[dreg:$0x3] =	wrdreg s5  }
0xaa: {  	[dreg:$0x4] =	wrdreg $0xC0  }
0xab: {  	_ =	task [dreg:s7], $0x5FFFF  }
0xac: {  	[dreg:$0x1] =	wrdreg $0xFFFFFFFF  }
0xad: {  	[dreg:$0x0] =	wrdreg $0x60  }
0xae: {  	[dreg:$0x2] =	wrdreg s2  }
0xaf: {  	[dreg:$0x3] =	wrdreg s24  }
0xb0: {  	[dreg:$0x4] =	wrdreg $0xE2000  }
0xb1: {  	[dreg:$0x5] =	wrdreg $0x9  }
0xb2: {  	_ =	task.clear_ibuf [dreg:s7], $0x6FFFF;
	_ =	strace $0x90000049  }
0xb3: {  	s29 =	simm.s32 $0x9;
	_ =	strace $0x8000004B  }
0xb4: {  	_ =	swait.ge [sflag:s29], $0x1  }
0xb5: {  	[sflag:s29] =	ssyncadd.s32 $0xFFFFFFFF  }
0xb6: {  	_ =	strace $0x9000004B  }
0xb7: {  	_ =	sfence  }
0xb8: {  	s30 =	sld [smem:$0x0];
	_ =	sdelay $0x2  }
0xb9: {  	s31 =	sshll.u32 s1, $0xD;
	s1 =	sshrl.u32 s1, $0x2  }
0xba: {  	s3 =	sand.u32 $0x4000, s31;
	s1 =	sadd.s32 s1, s30  }
0xbb: {  	s0 =	sor.u32 s3, s0;
	s1 =	sshll.u32 s1, $0x11  }
0xbc: {  	s0 =	sor.u32 s1, s0  }
0xbd: {  	s0 =	sadd.s32 $0x8F2B, s0  }
0xbe: {  	[sflag:s0] =	ssyncadd.remote.s32 $0x1  }
0xbf: {  	_ =	sfence.sel $0xFFFF  }
0xc0: {  	[dreg:$0x0] =	wrdreg $0xFFFFFFFF;
	(pc) =	sbr.abs _section_cstart, $3  }
0xc1: {  	[dreg:$0x1] =	wrdreg $0xFFFFFFFF  }
0xc2: {  	_ =	task.clear_ibuf [dreg:s7], $0x2FFFF;
	_ =	strace $0x9FFFFFFF  }
0xc3: {  	(tm) =	ssettm $0x7FFFFFFF  }
tec
execute0_lowered:
.L_overlay_start_1:
0x0: {  	(tag) =	ssettag $0x1  }
0x1: {  	s7 =	rddreg [dreg:$0x0]  }
0x2: {  	s5 =	rddreg [dreg:$0x1];
	s0 =	stileid.u32  }
0x3: {  	s1 =	srdreg.scid;
	s2 =	rddreg [dreg:$0x2];
	s3 =	simm.s32 $0x0  }
0x4: {  	s14 =	simm.s32 $0x80;
	s15 =	simm.s32 $0xA200;
	s16 =	simm.s32 $0xC200  }
0x5: {  	s17 =	simm.s32 $0x1;
	s18 =	simm.s32 $0x2;
	s19 =	simm.s32 $0xA000  }
0x6: {  	s20 =	simm.s32 $0x5000;
	s21 =	simm.s32 $0xA080;
	s22 =	simm.s32 $0x5080  }
0x7: {  	s23 =	simm.s32 $0xA100;
	s24 =	simm.s32 $0xA180;
	s25 =	simm.s32 $0x0  }
0x8: {  	s4 =	smul.u32 $0xA20, s0;
	s6 =	sand.u32 $0x1, s1;
	s1 =	rddreg [dreg:$0x3]  }
0x9: {  	s8 =	smul.u32 $0x9E00, s0;
	[smem:$0x7FF] =	sst s3;
	s31 =	sshll.u32 s0, $0x6  }
0xa: {  	s9 =	smul.u32 $0x9E000, s6;
	_ =	strace $0x8000004A;
	s11 =	ssub.s32 $0x2, s6  }
0xb: {  	s12 =	smul.u32 $0x13880, s6;
	s10 =	sadd.s32 s4, s5;
	s4 =	sadd.s32 $0x16200, s5  }
0xc: {  	s30 =	sshrl.u32 s11, $0x1;
	s13 =	sadd.s32 s8, s2;
	s9 =	sadd.s32 s8, s9  }
0xd: {  	s11 =	ssub.s32 s11, s30;
	s6 =	sadd.s32 $0x1600, s10;
	s7 =	sadd.s32 s7, s12  }
0xe: {  	s12 =	sor.u32 $0x1C03, s31;
	s13 =	sshrl.u32 s13, $0x3;
	s9 =	sshrl.u32 s9, $0x3  }
0xf: {  	s9 =	sadd.s32 s9, s5;
	s5 =	sadd.s32 $0xC000, s10;
	s10 =	simm.s32 $0x3  }
0x10: {  	s8 =	sadd.s32 $0x17600, s9;
	s9 =	smax.u32 s11, $0x1;
	s11 =	simm.s32 $0x5100  }
.LBB2_1:
0x11: {  	[tilespmem:s3], [sflag:$0x3] =	stream.linear.gather [hbm4b:s5+s3], $0x5100, $0x38;
	[tilespmem:$0x18000] =	vst v63  }
0x12: {  	_ =	swait.ge [sflag:s10], $0x5100  }
0x13: {  	[sflag:s10] =	ssyncset.done $0x0  }
0x14: {  	[sflag:s10] =	ssyncadd.s32 $0xFFFFAF00  }
0x15: {  	[tilespmem:s11], [sflag:$0x3] =	stream.linear.gather [hbm4b:s6+s3], $0x5100, $0x38;
	[tilespmem:$0x18000] =	vst v63  }
0x16: {  	_ =	swait.ge [sflag:s10], $0x5100  }
0x17: {  	[sflag:s10] =	ssyncset.done $0x0  }
0x18: {  	[sflag:s10] =	ssyncadd.s32 $0xFFFFAF00  }
0x19: {  	[spmem:s13], [sflag:s12] =	dma.local [hbm:s4], $0x13C0  }
0x1a: {  	_ =	swait.ge [sflag:s10], $0x13C0  }
0x1b: {  	[sflag:s10] =	ssyncset.done $0x0  }
0x1c: {  	[sflag:s10] =	ssyncadd.s32 $0xFFFFEC40  }
0x1d: {  	[bflag:$0x0] =	sbarrier.arrive $0xFFFF  }
0x1e: {  	[tilespmem:s15], [sflag:$0x1] =	stream.indirect.gather [hbm4b:s7+s14], $0x40, s3, s14, $0xb8;
	[tilespmem:$0x18000] =	vst v63  }
0x1f: {  	_ = 	snop  }
0x20: {  	[tilespmem:s16], [sflag:$0x2] =	stream.indirect.gather [hbm4b:s7+s14], $0x40, s14, s14, $0xb8;
	[tilespmem:$0x18000] =	vst v63  }
0x21: {  	_ =	swait.ge [sflag:s17], $0x2000  }
0x22: {  	[sflag:s17] =	ssyncset.done $0x0  }
0x23: {  	s26 =	simm.s32 $0x5100;
	[sflag:s17] =	ssyncadd.s32 $0xFFFFE000  }
0x24: {  	[spmem:s2] =	stream.indirect.scatter.add.f32 [tilespmem:s15], [sflag:$0x3], $0x40, s26, s14, $0xb8;
	[tilespmem:$0x18000] =	vst v63  }
0x25: {  	_ =	swait.ge [sflag:s10], $0x2000  }
0x26: {  	[sflag:s10] =	ssyncset.done $0x0  }
0x27: {  	s30 =	simm.s32 $0x100;
	[sflag:s10] =	ssyncadd.s32 $0xFFFFE000  }
0x28: {  	[tilespmem:s15], [sflag:$0x1] =	stream.indirect.gather [hbm4b:s7+s14], $0x40, s30, s14, $0xb8;
	[tilespmem:$0x18000] =	vst v63  }
0x29: {  	_ =	swait.ge [sflag:s18], $0x2000  }
0x2a: {  	[sflag:s18] =	ssyncset.done $0x0  }
0x2b: {  	s31 =	simm.s32 $0x5180;
	[sflag:s18] =	ssyncadd.s32 $0xFFFFE000  }
0x2c: {  	[spmem:s2] =	stream.indirect.scatter.add.f32 [tilespmem:s16], [sflag:$0x3], $0x40, s31, s14, $0xb8;
	[tilespmem:$0x18000] =	vst v63  }
0x2d: {  	_ =	swait.ge [sflag:s10], $0x2000  }
0x2e: {  	[sflag:s10] =	ssyncset.done $0x0  }
0x2f: {  	s28 =	simm.s32 $0x180;
	s26 =	simm.s32 $0x400;
	[sflag:s10] =	ssyncadd.s32 $0xFFFFE000  }
.LBB2_2:
0x30: {  	[tilespmem:s16], [sflag:$0x2] =	stream.indirect.gather [hbm4b:s7+s14], $0x40, s28, s14, $0xb8;
	[tilespmem:$0x18000] =	vst v63  }
0x31: {  	s28 =	smov.u32 s26  }
0x32: {  	p0 =	sne.s32 s26, $0x13800;
	s26 =	sadd.s32 $0x400, s26;
	_ =	swait.ge [sflag:s17], $0x2000  }
0x33: {  	s28 =	sshra.s32 s28, $0x2;
	[sflag:s17] =	ssyncset.done $0x0  }
0x34: {  	s29 =	sadd.s32 $0x5100, s28;
	[sflag:s17] =	ssyncadd.s32 $0xFFFFE000  }
0x35: {  	[spmem:s2] =	stream.indirect.scatter.add.f32 [tilespmem:s15], [sflag:$0x3], $0x40, s29, s14, $0xb8;
	[tilespmem:$0x18000] =	vst v63  }
0x36: {  	_ =	swait.ge [sflag:s10], $0x2000  }
0x37: {  	[sflag:s10] =	ssyncset.done $0x0  }
0x38: {  	s29 =	sadd.s32 $0x100, s28;
	[sflag:s10] =	ssyncadd.s32 $0xFFFFE000  }
0x39: {  	[tilespmem:s15], [sflag:$0x1] =	stream.indirect.gather [hbm4b:s7+s14], $0x40, s29, s14, $0xb8;
	[tilespmem:$0x18000] =	vst v63  }
0x3a: {  	_ =	swait.ge [sflag:s18], $0x2000  }
0x3b: {  	[sflag:s18] =	ssyncset.done $0x0  }
.Ltmp0:
0x3c: {  	s29 =	sadd.s32 $0x5180, s28;
	[sflag:s18] =	ssyncadd.s32 $0xFFFFE000;
	(pc) =	sbr.rel @p0 .LBB2_2-.Ltmp0, $4  }
0x3d: {  	[spmem:s2] =	stream.indirect.scatter.add.f32 [tilespmem:s16], [sflag:$0x3], $0x40, s29, s14, $0xb8;
	[tilespmem:$0x18000] =	vst v63  }
0x3e: {  	_ =	swait.ge [sflag:s10], $0x2000  }
0x3f: {  	[sflag:s10] =	ssyncset.done $0x0  }
0x40: {  	s28 =	sadd.s32 $0x180, s28;
	[sflag:s10] =	ssyncadd.s32 $0xFFFFE000  }
0x41: {  	[tilespmem:s16], [sflag:$0x2] =	stream.indirect.gather [hbm4b:s7+s14], $0x40, s28, s14, $0xb8;
	[tilespmem:$0x18000] =	vst v63  }
0x42: {  	_ =	swait.ge [sflag:s17], $0x2000  }
0x43: {  	[sflag:s17] =	ssyncset.done $0x0  }
0x44: {  	[sflag:s17] =	ssyncadd.s32 $0xFFFFE000  }
0x45: {  	[spmem:s2] =	stream.indirect.scatter.add.f32 [tilespmem:s15], [sflag:$0x3], $0x40, s19, s14, $0xb8;
	[tilespmem:$0x18000] =	vst v63  }
0x46: {  	_ =	swait.ge [sflag:s10], $0x2000  }
0x47: {  	[sflag:s10] =	ssyncset.done $0x0  }
0x48: {  	[sflag:s10] =	ssyncadd.s32 $0xFFFFE000  }
0x49: {  	[tilespmem:s15], [sflag:$0x1] =	stream.indirect.gather [hbm4b:s7+s14], $0x40, s20, s14, $0xb8;
	[tilespmem:$0x18000] =	vst v63  }
0x4a: {  	_ =	swait.ge [sflag:s18], $0x2000  }
0x4b: {  	[sflag:s18] =	ssyncset.done $0x0  }
0x4c: {  	[sflag:s18] =	ssyncadd.s32 $0xFFFFE000  }
0x4d: {  	[spmem:s2] =	stream.indirect.scatter.add.f32 [tilespmem:s16], [sflag:$0x3], $0x40, s21, s14, $0xb8;
	[tilespmem:$0x18000] =	vst v63  }
0x4e: {  	_ =	swait.ge [sflag:s10], $0x2000  }
0x4f: {  	[sflag:s10] =	ssyncset.done $0x0  }
0x50: {  	[sflag:s10] =	ssyncadd.s32 $0xFFFFE000  }
0x51: {  	[tilespmem:s16], [sflag:$0x2] =	stream.indirect.gather [hbm4b:s7+s14], $0x40, s22, s14, $0xb8;
	[tilespmem:$0x18000] =	vst v63  }
0x52: {  	_ =	swait.ge [sflag:s17], $0x2000  }
0x53: {  	[sflag:s17] =	ssyncset.done $0x0  }
0x54: {  	[sflag:s17] =	ssyncadd.s32 $0xFFFFE000  }
0x55: {  	[spmem:s2] =	stream.indirect.scatter.add.f32 [tilespmem:s15], [sflag:$0x3], $0x40, s23, s14, $0xb8;
	[tilespmem:$0x18000] =	vst v63  }
0x56: {  	_ =	swait.ge [sflag:s10], $0x2000  }
0x57: {  	[sflag:s10] =	ssyncset.done $0x0  }
0x58: {  	[sflag:s10] =	ssyncadd.s32 $0xFFFFE000  }
0x59: {  	[tilespmem:s15], [sflag:$0x1] =	stream.indirect.gather [hbm4b:s7+s14], $0x40, s22, s14, $0xb8;
	[tilespmem:$0x18000] =	vst v63  }
0x5a: {  	_ =	swait.ge [sflag:s18], $0x2000  }
0x5b: {  	[sflag:s18] =	ssyncset.done $0x0  }
0x5c: {  	[sflag:s18] =	ssyncadd.s32 $0xFFFFE000  }
0x5d: {  	[spmem:s2] =	stream.indirect.scatter.add.f32 [tilespmem:s16], [sflag:$0x3], $0x40, s24, s14, $0xb8;
	[tilespmem:$0x18000] =	vst v63  }
0x5e: {  	_ =	swait.ge [sflag:s10], $0x2000  }
0x5f: {  	[sflag:s10] =	ssyncset.done $0x0  }
0x60: {  	[sflag:s10] =	ssyncadd.s32 $0xFFFFE000  }
0x61: {  	[tilespmem:s16], [sflag:$0x2] =	stream.indirect.gather [hbm4b:s7+s14], $0x40, s22, s14, $0xb8;
	[tilespmem:$0x18000] =	vst v63  }
0x62: {  	_ =	swait.ge [sflag:s17], $0x2000  }
0x63: {  	[sflag:s17] =	ssyncset.done $0x0  }
0x64: {  	[sflag:s17] =	ssyncadd.s32 $0xFFFFE000  }
0x65: {  	_ =	swait.ge [sflag:s18], $0x2000  }
0x66: {  	s25 =	sadd.s32 $0x1, s25;
	[sflag:s18] =	ssyncset.done $0x0  }
0x67: {  	p0 =	sne.s32 s25, s9;
	[sflag:s18] =	ssyncadd.s32 $0xFFFFE000  }
.Ltmp1:
0x68: {  	[bflag:$0x0] =	sbarrier.arrive $0xFFFF;
	(pc) =	sbr.rel @p0 .LBB2_1-.Ltmp1, $4  }
0x69: {  	[hbm:s8], [sflag:s12] =	dma.local [spmem:s13], $0x13C0  }
0x6a: {  	_ =	swait.ge [sflag:s10], $0x13C0  }
0x6b: {  	[sflag:s10] =	ssyncset.done $0x0  }
0x6c: {  	[sflag:s10] =	ssyncadd.s32 $0xFFFFEC40  }
0x6d: {  	_ =	sfence.sel $0x180000  }
0x6e: {  	[bflag:$0x0] =	sbarrier.arrive $0xFFFF  }
0x6f: {  	p0 =	sne.s32 s0, $0x0;
	_ =	strace $0x9000004A  }
0x70: {  	s0 =	sadd.s32 @!p0 $0x100000, s1;
	[bflag:$0x2] =	sbarrier.arrive $0xFFFF  }
0x71: {  	[sflag:s0] =	ssyncadd.tile.s32 @!p0 $0x1;
	_ =	shalt  }
.Lfunc_end2:
_tile_overlayer_lowered:
.L_overlay_start_2:
0x72: {  	(tag) =	ssettag $0x2  }
0x73: {  	s0 =	rddreg [dreg:$0x0];
	s2 =	stileid.u32  }
0x74: {  	s1 =	rddreg [dreg:$0x1];
	p0 =	sne.s32 s2, $0x0  }
0x75: {  	s3 =	rddreg [dreg:$0x2];
	[bflag:$0x3] =	sbarrier.arrive $0xFFFF;
	s2 =	simm.s32 @!p0 $0x1C03  }
0x76: {  	[timem:s3], [sflag:s2] =	dma.local @!p0 [hbm:s0], s1  }
0x77: {  	s0 =	simm.s32 @!p0 $0x3  }
0x78: {  	_ =	swait.ge @!p0 [sflag:s0], s1  }
0x79: {  	s1 =	ssub.s32 @!p0 $0x0, s1;
	[sflag:s0] =	ssyncset.done @!p0 $0x0  }
0x7a: {  	[sflag:s0] =	ssyncadd.s32 @!p0 s1  }
0x7b: {  	[bflag:$0x3] =	sbarrier.arrive $0xFFFF  }
0x7c: {  	_ =	shalt  }

// kernel: kernel.14.cloned.1.call-start
scs
__scs_entry_jumppad:
0x0: {  	(pc) =	sbr.rel $0x88, $3  }
0x1: {  	(tag) =	ssettag $0x0;
	lr =	simm.s32 $0x1  }
0x2: {  	[smem:$0x3F9B] =	sst lr;
	_ =	strace $0xD0000000  }
0x3: {  	_ = 	snop  }
0x4: {  	_ = 	snop  }
0x5: {  	_ = 	snop  }
0x6: {  	_ = 	snop  }
0x7: {  	_ = 	snop  }
__scs_overlays_trampoline_lowered:
0x8: {  	[smem:$0x3FAA] =	sst s0  }
0x9: {  	[smem:$0x3FAB] =	sst s1  }
0xa: {  	[smem:$0x3FAC] =	sst s2  }
0xb: {  	[smem:$0x3FAD] =	sst s3  }
0xc: {  	[smem:$0x3FAE] =	sst s4  }
0xd: {  	[smem:$0x3FAF] =	sst s5  }
0xe: {  	[smem:$0x3FB0] =	sst s6  }
0xf: {  	[smem:$0x3FB1] =	sst s7  }
0x10: {  	[smem:$0x3FB2] =	sst s8  }
0x11: {  	[smem:$0x3FB3] =	sst s9;
	s0 =	simm.s32 @!p0 $0x0  }
0x12: {  	s1 =	sld [smem:$0x3F99];
	s0 =	simm.s32 @p0 $0x1  }
0x13: {  	[smem:$0x3FB4] =	sst s0;
	s0 =	simm.s32 @!p1 $0x0  }
0x14: {  	s2 =	sld [smem:$0x3F98];
	s0 =	simm.s32 @p1 $0x1  }
0x15: {  	[smem:$0x3FB5] =	sst s0;
	s0 =	simm.s32 @!p2 $0x0  }
0x16: {  	s3 =	sld [smem:$0x3FDB];
	s0 =	simm.s32 @p2 $0x1  }
0x17: {  	s4 =	simm.s32 $0x1BF5;
	[smem:$0x3FB7] =	sst s0  }
0x18: {  	s0 =	sld [smem:$0x3F9A];
	_ =	swait.ge [sflag:s4], $0x0  }
0x19: {  	s7 =	sld [smem:$0x3F9B]  }
0x1a: {  	s8 =	sadd.s32 $0xFFFFE003, lr  }
0x1b: {  	s9 =	sadd.s32 $0xFFFFFEF7, lr;
	s5 =	simm.s32 $0xFFFFFFFF;
	p2 =	slt.u32 s8, $0xFFFFF086  }
0x1c: {  	p1 =	slt.u32 s9, $0xF7A;
	s5 =	simm.s32 @!p2 $0x0  }
0x1d: {  	s5 =	simm.s32 @p1 $0x1;
	p0 =	seq.s32 s7, s2  }
0x1e: {  	s7 =	smul.u32 @!p0 $0xF7A, s2;
	p2 =	seq.s32 @!p0 s5, $0x0  }
0x1f: {  	s9 =	smul.u32 $0xF7A, s1;
	s8 =	simm.s32 @!p0 $0x1BF5;
	p2 =	por !p2, p0  }
0x20: {  	[sflag:s8] =	ssyncset.s32 @!p0 $0xFFFFF086;
	s6 =	sadd.s32 @!p0 s3, s7;
	s7 =	simm.s32 @!p0 $0x108  }
0x21: {  	s3 =	sadd.s32 s3, s9;
	s6 =	sadd.s32 @!p0 $0x88, s6;
	s7 =	simm.s32 @p2 $0x1082  }
0x22: {  	[simem:s7], [sflag:s8] =	dma.local @!p0 [hbm:s6], $0xF7A  }
0x23: {  	s9 =	sor.u32 $0xD0000000, s2;
	s6 =	simm.s32 $0x108;
	_ =	swait.ge @!p0 [sflag:s8], $0x0  }
0x24: {  	s3 =	sadd.s32 $0x88, s3;
	s6 =	simm.s32 @!p1 $0x1082;
	[sflag:s4] =	ssyncset.s32 $0xFFFFF086  }
0x25: {  	[simem:s6], [sflag:s4] =	dma.local [hbm:s3], $0xF7A  }
0x26: {  	[smem:$0x3F9B] =	sst s1;
	(tag) =	ssettag s2;
	_ =	strace s9  }
0x27: {  	s1 =	sld [smem:$0x3FAB]  }
0x28: {  	s2 =	sld [smem:$0x3FAC]  }
0x29: {  	s4 =	sld [smem:$0x3FAE]  }
0x2a: {  	p0 =	seq.s32 s5, $0x0;
	s5 =	sld [smem:$0x3FAF]  }
0x2b: {  	s6 =	sld [smem:$0x3FB0]  }
0x2c: {  	s7 =	sld [smem:$0x3FB1]  }
0x2d: {  	s3 =	simm.s32 $0x108;
	s8 =	sld [smem:$0x3FB2]  }
0x2e: {  	s3 =	simm.s32 @!p0 $0x1082;
	s9 =	sld [smem:$0x3FB3]  }
0x2f: {  	lr =	sadd.s32 s0, s3;
	s0 =	sld [smem:$0x3FAA]  }
0x30: {  	s3 =	sld [smem:$0x3FAD]  }
0x31: {  	[smem:$0x3FB6] =	sst s10  }
0x32: {  	s10 =	sld [smem:$0x3FB4];
	_ =	sdelay $0x3  }
0x33: {  	p0 =	seq.s32 s10, $0x1;
	s10 =	sld [smem:$0x3FB6];
	_ =	sdelay $0x3  }
0x34: {  	[smem:$0x3FB6] =	sst s10  }
0x35: {  	s10 =	sld [smem:$0x3FB5];
	_ =	sdelay $0x3  }
0x36: {  	p1 =	seq.s32 s10, $0x1;
	s10 =	sld [smem:$0x3FB6];
	_ =	sdelay $0x3  }
0x37: {  	[smem:$0x3FB6] =	sst s10  }
0x38: {  	s10 =	sld [smem:$0x3FB7]  }
0x39: {  	_ = 	snop;
	(pc) =	sbr.ind lr, $3  }
0x3a: {  	_ = 	snop  }
0x3b: {  	_ = 	snop  }
0x3c: {  	p2 =	seq.s32 s10, $0x1;
	s10 =	sld [smem:$0x3FB6]  }
0x3d: {  	_ =	shalt  }
0x3e: {  	_ =	shalt  }
0x3f: {  	_ =	shalt  }
0x40: {  	_ =	shalt  }
0x41: {  	_ =	shalt  }
0x42: {  	_ =	shalt  }
0x43: {  	_ =	shalt  }
0x44: {  	_ =	shalt  }
0x45: {  	_ =	shalt  }
0x46: {  	_ =	shalt  }
0x47: {  	_ =	shalt  }
0x48: {  	_ =	shalt  }
0x49: {  	_ =	shalt  }
0x4a: {  	_ =	shalt  }
0x4b: {  	_ =	shalt  }
0x4c: {  	_ =	shalt  }
0x4d: {  	_ =	shalt  }
0x4e: {  	_ =	shalt  }
0x4f: {  	_ =	shalt  }
0x50: {  	_ =	shalt  }
0x51: {  	_ =	shalt  }
0x52: {  	_ =	shalt  }
0x53: {  	_ =	shalt  }
0x54: {  	_ =	shalt  }
0x55: {  	_ =	shalt  }
0x56: {  	_ =	shalt  }
0x57: {  	_ =	shalt  }
0x58: {  	_ =	shalt  }
0x59: {  	_ =	shalt  }
0x5a: {  	_ =	shalt  }
0x5b: {  	_ =	shalt  }
0x5c: {  	_ =	shalt  }
0x5d: {  	_ =	shalt  }
0x5e: {  	_ =	shalt  }
0x5f: {  	_ =	shalt  }
0x60: {  	_ =	shalt  }
0x61: {  	_ =	shalt  }
0x62: {  	_ =	shalt  }
0x63: {  	_ =	shalt  }
0x64: {  	_ =	shalt  }
0x65: {  	_ =	shalt  }
0x66: {  	_ =	shalt  }
0x67: {  	_ =	shalt  }
0x68: {  	_ =	shalt  }
0x69: {  	_ =	shalt  }
0x6a: {  	_ =	shalt  }
0x6b: {  	_ =	shalt  }
0x6c: {  	_ =	shalt  }
0x6d: {  	_ =	shalt  }
0x6e: {  	_ =	shalt  }
0x6f: {  	_ =	shalt  }
0x70: {  	_ =	shalt  }
0x71: {  	_ =	shalt  }
0x72: {  	_ =	shalt  }
0x73: {  	_ =	shalt  }
0x74: {  	_ =	shalt  }
0x75: {  	_ =	shalt  }
0x76: {  	_ =	shalt  }
0x77: {  	_ =	shalt  }
0x78: {  	_ =	shalt  }
0x79: {  	_ =	shalt  }
0x7a: {  	_ =	shalt  }
0x7b: {  	_ =	shalt  }
0x7c: {  	_ =	shalt  }
0x7d: {  	_ =	shalt  }
0x7e: {  	_ =	shalt  }
0x7f: {  	_ =	shalt  }
0x80: {  	_ =	shalt  }
0x81: {  	_ =	shalt  }
0x82: {  	_ =	shalt  }
0x83: {  	_ =	shalt  }
0x84: {  	_ =	shalt  }
0x85: {  	_ =	shalt  }
0x86: {  	_ =	shalt  }
0x87: {  	_ =	shalt  }
.Lfunc_end0:
.L_simem_size_0:
called_computation.2_lowered:
.L_overlay_start_0:
0x88: {  	s2 =	sld [smem:$0x3FD9]  }
0x89: {  	s3 =	sld [smem:$0x3FFE];
	_ =	sdelay $0x1  }
0x8a: {  	s1 =	srdreg.scid  }
0x8b: {  	s0 =	sand.u32 $0x1, s1  }
0x8c: {  	s17 =	sshll.u32 s0, $0xA;
	s2 =	sadd.s32 s3, s2  }
0x8d: {  	s2 =	sadd.s32 s2, s17  }
0x8e: {  	[smem:$0x3FC2] =	sst s2  }
0x8f: {  	_ = 	snop  }
0x90: {  	s2 =	sld [smem:$0x3FD0];
	(tm) =	ssettm $0x1  }
0x91: {  	s18 =	sld [smem:$0x3FFB];
	_ =	sdelay $0x3  }
0x92: {  	_ =	strace s18  }
0x93: {  	s3 =	sld [smem:$0x3FFC];
	_ =	sdelay $0x3  }
0x94: {  	_ =	strace s3  }
0x95: {  	s3 =	sld [smem:$0x3FFD];
	_ =	sdelay $0x3  }
0x96: {  	_ =	strace s3  }
0x97: {  	_ =	strace $0x8FFFFFFF  }
0x98: {  	s19 =	sld [smem:$0x3FDB];
	_ =	sdelay $0x1  }
0x99: {  	s4 =	simm.s32 $_scs_section_size  }
0x9a: {  	s5 =	simm.s32 $_size__tile_overlayer_lowered;
	s6 =	simm.s32 $_tile_overlayer_lowered  }
0x9b: {  	s22 =	simm.s32 $0x1BFF;
	s21 =	sshll.u32 s6, $0x1;
	s3 =	sadd.s32 s4, s19  }
0x9c: {  	s7 =	simm.s32 $0x0;
	s20 =	sshll.u32 s5, $0x1;
	s5 =	sadd.s32 s21, s3  }
0x9d: {  	[timem:s7], [sflag:s22] =	dma.local [hbm:s5], s20  }
0x9e: {  	_ =	swait.ge [sflag:s22], s20  }
0x9f: {  	s4 =	ssub.s32 $0x0, s20;
	[sflag:s22] =	ssyncset.done $0x0  }
0xa0: {  	[sflag:s22] =	ssyncadd.s32 s4;
	_ =	sdelay $0x1  }
0xa1: {  	s23 =	simm.s32 $0x1B8B  }
0xa2: {  	_ =	swait.ge [sflag:s23], $0x1  }
0xa3: {  	[sflag:s23] =	ssyncset.done $0x0  }
0xa4: {  	s25 =	simm.s32 $0x1B8E;
	s24 =	sld [smem:$0x3FFE];
	[sflag:s23] =	ssyncadd.s32 $0xFFFFFFFF  }
0xa5: {  	s26 =	simm.s32 $execute0_lowered;
	[smem:$0x3FD2] =	sst s25  }
0xa6: {  	s5 =	sshll.u32 s26, $0x1;
	_ =	strace $0x8000004C;
	[dreg:$0x1] =	wrdreg $0xFFFFFFFF  }
0xa7: {  	s28 =	simm.s32 $_size_execute0_lowered;
	s3 =	sadd.s32 s3, s5;
	[dreg:$0x0] =	wrdreg $0x0  }
0xa8: {  	s5 =	sshll.u32 s28, $0x1;
	[dreg:$0x2] =	wrdreg s3  }
0xa9: {  	[dreg:$0x3] =	wrdreg s5  }
0xaa: {  	[dreg:$0x4] =	wrdreg $0xC0  }
0xab: {  	_ =	task [dreg:s7], $0x5FFFF  }
0xac: {  	[dreg:$0x1] =	wrdreg $0xFFFFFFFF  }
0xad: {  	[dreg:$0x0] =	wrdreg $0x60  }
0xae: {  	[dreg:$0x2] =	wrdreg s2  }
0xaf: {  	[dreg:$0x3] =	wrdreg s24  }
0xb0: {  	[dreg:$0x4] =	wrdreg $0xE2000  }
0xb1: {  	[dreg:$0x5] =	wrdreg $0x9  }
0xb2: {  	_ =	task.clear_ibuf [dreg:s7], $0x6FFFF;
	_ =	strace $0x9000004C  }
0xb3: {  	s29 =	simm.s32 $0x9;
	_ =	strace $0x8000004E  }
0xb4: {  	_ =	swait.ge [sflag:s29], $0x1  }
0xb5: {  	[sflag:s29] =	ssyncadd.s32 $0xFFFFFFFF  }
0xb6: {  	_ =	strace $0x9000004E  }
0xb7: {  	_ =	sfence  }
0xb8: {  	s30 =	sld [smem:$0x0];
	_ =	sdelay $0x2  }
0xb9: {  	s31 =	sshll.u32 s1, $0xD;
	s1 =	sshrl.u32 s1, $0x2  }
0xba: {  	s3 =	sand.u32 $0x4000, s31;
	s1 =	sadd.s32 s1, s30  }
0xbb: {  	s0 =	sor.u32 s3, s0;
	s1 =	sshll.u32 s1, $0x11  }
0xbc: {  	s0 =	sor.u32 s1, s0  }
0xbd: {  	s0 =	sadd.s32 $0x8F2B, s0  }
0xbe: {  	[sflag:s0] =	ssyncadd.remote.s32 $0x1  }
0xbf: {  	_ =	sfence.sel $0xFFFF  }
0xc0: {  	[dreg:$0x0] =	wrdreg $0xFFFFFFFF;
	(pc) =	sbr.abs _section_cstart, $3  }
0xc1: {  	[dreg:$0x1] =	wrdreg $0xFFFFFFFF  }
0xc2: {  	_ =	task.clear_ibuf [dreg:s7], $0x2FFFF;
	_ =	strace $0x9FFFFFFF  }
0xc3: {  	(tm) =	ssettm $0x7FFFFFFF  }
tec
execute0_lowered:
.L_overlay_start_1:
0x0: {  	(tag) =	ssettag $0x1  }
0x1: {  	s7 =	rddreg [dreg:$0x0]  }
0x2: {  	s5 =	rddreg [dreg:$0x1];
	s0 =	stileid.u32  }
0x3: {  	s1 =	srdreg.scid;
	s2 =	rddreg [dreg:$0x2];
	s3 =	simm.s32 $0x0  }
0x4: {  	s14 =	simm.s32 $0x80;
	s15 =	simm.s32 $0xA200;
	s16 =	simm.s32 $0xC200  }
0x5: {  	s17 =	simm.s32 $0x1;
	s18 =	simm.s32 $0x2;
	s19 =	simm.s32 $0xA000  }
0x6: {  	s20 =	simm.s32 $0x5000;
	s21 =	simm.s32 $0xA080;
	s22 =	simm.s32 $0x5080  }
0x7: {  	s23 =	simm.s32 $0xA100;
	s24 =	simm.s32 $0xA180;
	s25 =	simm.s32 $0x0  }
0x8: {  	s4 =	smul.u32 $0xA20, s0;
	s6 =	sand.u32 $0x1, s1;
	s1 =	rddreg [dreg:$0x3]  }
0x9: {  	s8 =	smul.u32 $0x9E00, s0;
	[smem:$0x7FF] =	sst s3;
	s31 =	sshll.u32 s0, $0x6  }
0xa: {  	s9 =	smul.u32 $0x9E000, s6;
	_ =	strace $0x8000004D;
	s11 =	ssub.s32 $0x2, s6  }
0xb: {  	s12 =	smul.u32 $0x13880, s6;
	s10 =	sadd.s32 s4, s5;
	s4 =	sadd.s32 $0x16200, s5  }
0xc: {  	s30 =	sshrl.u32 s11, $0x1;
	s13 =	sadd.s32 s8, s2;
	s9 =	sadd.s32 s8, s9  }
0xd: {  	s11 =	ssub.s32 s11, s30;
	s6 =	sadd.s32 $0x1600, s10;
	s7 =	sadd.s32 s7, s12  }
0xe: {  	s12 =	sor.u32 $0x1C03, s31;
	s13 =	sshrl.u32 s13, $0x3;
	s9 =	sshrl.u32 s9, $0x3  }
0xf: {  	s9 =	sadd.s32 s9, s5;
	s5 =	sadd.s32 $0xC000, s10;
	s10 =	simm.s32 $0x3  }
0x10: {  	s8 =	sadd.s32 $0x17600, s9;
	s9 =	smax.u32 s11, $0x1;
	s11 =	simm.s32 $0x5100  }
.LBB2_1:
0x11: {  	[tilespmem:s3], [sflag:$0x3] =	stream.linear.gather [hbm4b:s5+s3], $0x5100, $0x38;
	[tilespmem:$0x18000] =	vst v63  }
0x12: {  	_ =	swait.ge [sflag:s10], $0x5100  }
0x13: {  	[sflag:s10] =	ssyncset.done $0x0  }
0x14: {  	[sflag:s10] =	ssyncadd.s32 $0xFFFFAF00  }
0x15: {  	[tilespmem:s11], [sflag:$0x3] =	stream.linear.gather [hbm4b:s6+s3], $0x5100, $0x38;
	[tilespmem:$0x18000] =	vst v63  }
0x16: {  	_ =	swait.ge [sflag:s10], $0x5100  }
0x17: {  	[sflag:s10] =	ssyncset.done $0x0  }
0x18: {  	[sflag:s10] =	ssyncadd.s32 $0xFFFFAF00  }
0x19: {  	[spmem:s13], [sflag:s12] =	dma.local [hbm:s4], $0x13C0  }
0x1a: {  	_ =	swait.ge [sflag:s10], $0x13C0  }
0x1b: {  	[sflag:s10] =	ssyncset.done $0x0  }
0x1c: {  	[sflag:s10] =	ssyncadd.s32 $0xFFFFEC40  }
0x1d: {  	[bflag:$0x0] =	sbarrier.arrive $0xFFFF  }
0x1e: {  	[tilespmem:s15], [sflag:$0x1] =	stream.indirect.gather [hbm4b:s7+s14], $0x40, s3, s14, $0xb8;
	[tilespmem:$0x18000] =	vst v63  }
0x1f: {  	_ = 	snop  }
0x20: {  	[tilespmem:s16], [sflag:$0x2] =	stream.indirect.gather [hbm4b:s7+s14], $0x40, s14, s14, $0xb8;
	[tilespmem:$0x18000] =	vst v63  }
0x21: {  	_ =	swait.ge [sflag:s17], $0x2000  }
0x22: {  	[sflag:s17] =	ssyncset.done $0x0  }
0x23: {  	s26 =	simm.s32 $0x5100;
	[sflag:s17] =	ssyncadd.s32 $0xFFFFE000  }
0x24: {  	[spmem:s2] =	stream.indirect.scatter.add.f32 [tilespmem:s15], [sflag:$0x3], $0x40, s26, s14, $0xb8;
	[tilespmem:$0x18000] =	vst v63  }
0x25: {  	_ =	swait.ge [sflag:s10], $0x2000  }
0x26: {  	[sflag:s10] =	ssyncset.done $0x0  }
0x27: {  	s30 =	simm.s32 $0x100;
	[sflag:s10] =	ssyncadd.s32 $0xFFFFE000  }
0x28: {  	[tilespmem:s15], [sflag:$0x1] =	stream.indirect.gather [hbm4b:s7+s14], $0x40, s30, s14, $0xb8;
	[tilespmem:$0x18000] =	vst v63  }
0x29: {  	_ =	swait.ge [sflag:s18], $0x2000  }
0x2a: {  	[sflag:s18] =	ssyncset.done $0x0  }
0x2b: {  	s31 =	simm.s32 $0x5180;
	[sflag:s18] =	ssyncadd.s32 $0xFFFFE000  }
0x2c: {  	[spmem:s2] =	stream.indirect.scatter.add.f32 [tilespmem:s16], [sflag:$0x3], $0x40, s31, s14, $0xb8;
	[tilespmem:$0x18000] =	vst v63  }
0x2d: {  	_ =	swait.ge [sflag:s10], $0x2000  }
0x2e: {  	[sflag:s10] =	ssyncset.done $0x0  }
0x2f: {  	s28 =	simm.s32 $0x180;
	s26 =	simm.s32 $0x400;
	[sflag:s10] =	ssyncadd.s32 $0xFFFFE000  }
.LBB2_2:
0x30: {  	[tilespmem:s16], [sflag:$0x2] =	stream.indirect.gather [hbm4b:s7+s14], $0x40, s28, s14, $0xb8;
	[tilespmem:$0x18000] =	vst v63  }
0x31: {  	s28 =	smov.u32 s26  }
0x32: {  	p0 =	sne.s32 s26, $0x13800;
	s26 =	sadd.s32 $0x400, s26;
	_ =	swait.ge [sflag:s17], $0x2000  }
0x33: {  	s28 =	sshra.s32 s28, $0x2;
	[sflag:s17] =	ssyncset.done $0x0  }
0x34: {  	s29 =	sadd.s32 $0x5100, s28;
	[sflag:s17] =	ssyncadd.s32 $0xFFFFE000  }
0x35: {  	[spmem:s2] =	stream.indirect.scatter.add.f32 [tilespmem:s15], [sflag:$0x3], $0x40, s29, s14, $0xb8;
	[tilespmem:$0x18000] =	vst v63  }
0x36: {  	_ =	swait.ge [sflag:s10], $0x2000  }
0x37: {  	[sflag:s10] =	ssyncset.done $0x0  }
0x38: {  	s29 =	sadd.s32 $0x100, s28;
	[sflag:s10] =	ssyncadd.s32 $0xFFFFE000  }
0x39: {  	[tilespmem:s15], [sflag:$0x1] =	stream.indirect.gather [hbm4b:s7+s14], $0x40, s29, s14, $0xb8;
	[tilespmem:$0x18000] =	vst v63  }
0x3a: {  	_ =	swait.ge [sflag:s18], $0x2000  }
0x3b: {  	[sflag:s18] =	ssyncset.done $0x0  }
.Ltmp0:
0x3c: {  	s29 =	sadd.s32 $0x5180, s28;
	[sflag:s18] =	ssyncadd.s32 $0xFFFFE000;
	(pc) =	sbr.rel @p0 .LBB2_2-.Ltmp0, $4  }
0x3d: {  	[spmem:s2] =	stream.indirect.scatter.add.f32 [tilespmem:s16], [sflag:$0x3], $0x40, s29, s14, $0xb8;
	[tilespmem:$0x18000] =	vst v63  }
0x3e: {  	_ =	swait.ge [sflag:s10], $0x2000  }
0x3f: {  	[sflag:s10] =	ssyncset.done $0x0  }
0x40: {  	s28 =	sadd.s32 $0x180, s28;
	[sflag:s10] =	ssyncadd.s32 $0xFFFFE000  }
0x41: {  	[tilespmem:s16], [sflag:$0x2] =	stream.indirect.gather [hbm4b:s7+s14], $0x40, s28, s14, $0xb8;
	[tilespmem:$0x18000] =	vst v63  }
0x42: {  	_ =	swait.ge [sflag:s17], $0x2000  }
0x43: {  	[sflag:s17] =	ssyncset.done $0x0  }
0x44: {  	[sflag:s17] =	ssyncadd.s32 $0xFFFFE000  }
0x45: {  	[spmem:s2] =	stream.indirect.scatter.add.f32 [tilespmem:s15], [sflag:$0x3], $0x40, s19, s14, $0xb8;
	[tilespmem:$0x18000] =	vst v63  }
0x46: {  	_ =	swait.ge [sflag:s10], $0x2000  }
0x47: {  	[sflag:s10] =	ssyncset.done $0x0  }
0x48: {  	[sflag:s10] =	ssyncadd.s32 $0xFFFFE000  }
0x49: {  	[tilespmem:s15], [sflag:$0x1] =	stream.indirect.gather [hbm4b:s7+s14], $0x40, s20, s14, $0xb8;
	[tilespmem:$0x18000] =	vst v63  }
0x4a: {  	_ =	swait.ge [sflag:s18], $0x2000  }
0x4b: {  	[sflag:s18] =	ssyncset.done $0x0  }
0x4c: {  	[sflag:s18] =	ssyncadd.s32 $0xFFFFE000  }
0x4d: {  	[spmem:s2] =	stream.indirect.scatter.add.f32 [tilespmem:s16], [sflag:$0x3], $0x40, s21, s14, $0xb8;
	[tilespmem:$0x18000] =	vst v63  }
0x4e: {  	_ =	swait.ge [sflag:s10], $0x2000  }
0x4f: {  	[sflag:s10] =	ssyncset.done $0x0  }
0x50: {  	[sflag:s10] =	ssyncadd.s32 $0xFFFFE000  }
0x51: {  	[tilespmem:s16], [sflag:$0x2] =	stream.indirect.gather [hbm4b:s7+s14], $0x40, s22, s14, $0xb8;
	[tilespmem:$0x18000] =	vst v63  }
0x52: {  	_ =	swait.ge [sflag:s17], $0x2000  }
0x53: {  	[sflag:s17] =	ssyncset.done $0x0  }
0x54: {  	[sflag:s17] =	ssyncadd.s32 $0xFFFFE000  }
0x55: {  	[spmem:s2] =	stream.indirect.scatter.add.f32 [tilespmem:s15], [sflag:$0x3], $0x40, s23, s14, $0xb8;
	[tilespmem:$0x18000] =	vst v63  }
0x56: {  	_ =	swait.ge [sflag:s10], $0x2000  }
0x57: {  	[sflag:s10] =	ssyncset.done $0x0  }
0x58: {  	[sflag:s10] =	ssyncadd.s32 $0xFFFFE000  }
0x59: {  	[tilespmem:s15], [sflag:$0x1] =	stream.indirect.gather [hbm4b:s7+s14], $0x40, s22, s14, $0xb8;
	[tilespmem:$0x18000] =	vst v63  }
0x5a: {  	_ =	swait.ge [sflag:s18], $0x2000  }
0x5b: {  	[sflag:s18] =	ssyncset.done $0x0  }
0x5c: {  	[sflag:s18] =	ssyncadd.s32 $0xFFFFE000  }
0x5d: {  	[spmem:s2] =	stream.indirect.scatter.add.f32 [tilespmem:s16], [sflag:$0x3], $0x40, s24, s14, $0xb8;
	[tilespmem:$0x18000] =	vst v63  }
0x5e: {  	_ =	swait.ge [sflag:s10], $0x2000  }
0x5f: {  	[sflag:s10] =	ssyncset.done $0x0  }
0x60: {  	[sflag:s10] =	ssyncadd.s32 $0xFFFFE000  }
0x61: {  	[tilespmem:s16], [sflag:$0x2] =	stream.indirect.gather [hbm4b:s7+s14], $0x40, s22, s14, $0xb8;
	[tilespmem:$0x18000] =	vst v63  }
0x62: {  	_ =	swait.ge [sflag:s17], $0x2000  }
0x63: {  	[sflag:s17] =	ssyncset.done $0x0  }
0x64: {  	[sflag:s17] =	ssyncadd.s32 $0xFFFFE000  }
0x65: {  	_ =	swait.ge [sflag:s18], $0x2000  }
0x66: {  	s25 =	sadd.s32 $0x1, s25;
	[sflag:s18] =	ssyncset.done $0x0  }
0x67: {  	p0 =	sne.s32 s25, s9;
	[sflag:s18] =	ssyncadd.s32 $0xFFFFE000  }
.Ltmp1:
0x68: {  	[bflag:$0x0] =	sbarrier.arrive $0xFFFF;
	(pc) =	sbr.rel @p0 .LBB2_1-.Ltmp1, $4  }
0x69: {  	[hbm:s8], [sflag:s12] =	dma.local [spmem:s13], $0x13C0  }
0x6a: {  	_ =	swait.ge [sflag:s10], $0x13C0  }
0x6b: {  	[sflag:s10] =	ssyncset.done $0x0  }
0x6c: {  	[sflag:s10] =	ssyncadd.s32 $0xFFFFEC40  }
0x6d: {  	_ =	sfence.sel $0x180000  }
0x6e: {  	[bflag:$0x0] =	sbarrier.arrive $0xFFFF  }
0x6f: {  	p0 =	sne.s32 s0, $0x0;
	_ =	strace $0x9000004D  }
0x70: {  	s0 =	sadd.s32 @!p0 $0x100000, s1;
	[bflag:$0x2] =	sbarrier.arrive $0xFFFF  }
0x71: {  	[sflag:s0] =	ssyncadd.tile.s32 @!p0 $0x1;
	_ =	shalt  }
.Lfunc_end2:
_tile_overlayer_lowered:
.L_overlay_start_2:
0x72: {  	(tag) =	ssettag $0x2  }
0x73: {  	s0 =	rddreg [dreg:$0x0];
	s2 =	stileid.u32  }
0x74: {  	s1 =	rddreg [dreg:$0x1];
	p0 =	sne.s32 s2, $0x0  }
0x75: {  	s3 =	rddreg [dreg:$0x2];
	[bflag:$0x3] =	sbarrier.arrive $0xFFFF;
	s2 =	simm.s32 @!p0 $0x1C03  }
0x76: {  	[timem:s3], [sflag:s2] =	dma.local @!p0 [hbm:s0], s1  }
0x77: {  	s0 =	simm.s32 @!p0 $0x3  }
0x78: {  	_ =	swait.ge @!p0 [sflag:s0], s1  }
0x79: {  	s1 =	ssub.s32 @!p0 $0x0, s1;
	[sflag:s0] =	ssyncset.done @!p0 $0x0  }
0x7a: {  	[sflag:s0] =	ssyncadd.s32 @!p0 s1  }
0x7b: {  	[bflag:$0x3] =	sbarrier.arrive $0xFFFF  }
0x7c: {  	_ =	shalt  }

// kernel: kernel.8.cloned.1.call-start
scs
__scs_entry_jumppad:
0x0: {  	(pc) =	sbr.rel $0x88, $3  }
0x1: {  	(tag) =	ssettag $0x0;
	lr =	simm.s32 $0x1  }
0x2: {  	[smem:$0x3F9B] =	sst lr;
	_ =	strace $0xD0000000  }
0x3: {  	_ = 	snop  }
0x4: {  	_ = 	snop  }
0x5: {  	_ = 	snop  }
0x6: {  	_ = 	snop  }
0x7: {  	_ = 	snop  }
__scs_overlays_trampoline_lowered:
0x8: {  	[smem:$0x3FAA] =	sst s0  }
0x9: {  	[smem:$0x3FAB] =	sst s1  }
0xa: {  	[smem:$0x3FAC] =	sst s2  }
0xb: {  	[smem:$0x3FAD] =	sst s3  }
0xc: {  	[smem:$0x3FAE] =	sst s4  }
0xd: {  	[smem:$0x3FAF] =	sst s5  }
0xe: {  	[smem:$0x3FB0] =	sst s6  }
0xf: {  	[smem:$0x3FB1] =	sst s7  }
0x10: {  	[smem:$0x3FB2] =	sst s8  }
0x11: {  	[smem:$0x3FB3] =	sst s9;
	s0 =	simm.s32 @!p0 $0x0  }
0x12: {  	s1 =	sld [smem:$0x3F99];
	s0 =	simm.s32 @p0 $0x1  }
0x13: {  	[smem:$0x3FB4] =	sst s0;
	s0 =	simm.s32 @!p1 $0x0  }
0x14: {  	s2 =	sld [smem:$0x3F98];
	s0 =	simm.s32 @p1 $0x1  }
0x15: {  	[smem:$0x3FB5] =	sst s0;
	s0 =	simm.s32 @!p2 $0x0  }
0x16: {  	s3 =	sld [smem:$0x3FDB];
	s0 =	simm.s32 @p2 $0x1  }
0x17: {  	s4 =	simm.s32 $0x1BF5;
	[smem:$0x3FB7] =	sst s0  }
0x18: {  	s0 =	sld [smem:$0x3F9A];
	_ =	swait.ge [sflag:s4], $0x0  }
0x19: {  	s7 =	sld [smem:$0x3F9B]  }
0x1a: {  	s8 =	sadd.s32 $0xFFFFE003, lr  }
0x1b: {  	s9 =	sadd.s32 $0xFFFFFEF7, lr;
	s5 =	simm.s32 $0xFFFFFFFF;
	p2 =	slt.u32 s8, $0xFFFFF086  }
0x1c: {  	p1 =	slt.u32 s9, $0xF7A;
	s5 =	simm.s32 @!p2 $0x0  }
0x1d: {  	s5 =	simm.s32 @p1 $0x1;
	p0 =	seq.s32 s7, s2  }
0x1e: {  	s7 =	smul.u32 @!p0 $0xF7A, s2;
	p2 =	seq.s32 @!p0 s5, $0x0  }
0x1f: {  	s9 =	smul.u32 $0xF7A, s1;
	s8 =	simm.s32 @!p0 $0x1BF5;
	p2 =	por !p2, p0  }
0x20: {  	[sflag:s8] =	ssyncset.s32 @!p0 $0xFFFFF086;
	s6 =	sadd.s32 @!p0 s3, s7;
	s7 =	simm.s32 @!p0 $0x108  }
0x21: {  	s3 =	sadd.s32 s3, s9;
	s6 =	sadd.s32 @!p0 $0x88, s6;
	s7 =	simm.s32 @p2 $0x1082  }
0x22: {  	[simem:s7], [sflag:s8] =	dma.local @!p0 [hbm:s6], $0xF7A  }
0x23: {  	s9 =	sor.u32 $0xD0000000, s2;
	s6 =	simm.s32 $0x108;
	_ =	swait.ge @!p0 [sflag:s8], $0x0  }
0x24: {  	s3 =	sadd.s32 $0x88, s3;
	s6 =	simm.s32 @!p1 $0x1082;
	[sflag:s4] =	ssyncset.s32 $0xFFFFF086  }
0x25: {  	[simem:s6], [sflag:s4] =	dma.local [hbm:s3], $0xF7A  }
0x26: {  	[smem:$0x3F9B] =	sst s1;
	(tag) =	ssettag s2;
	_ =	strace s9  }
0x27: {  	s1 =	sld [smem:$0x3FAB]  }
0x28: {  	s2 =	sld [smem:$0x3FAC]  }
0x29: {  	s4 =	sld [smem:$0x3FAE]  }
0x2a: {  	p0 =	seq.s32 s5, $0x0;
	s5 =	sld [smem:$0x3FAF]  }
0x2b: {  	s6 =	sld [smem:$0x3FB0]  }
0x2c: {  	s7 =	sld [smem:$0x3FB1]  }
0x2d: {  	s3 =	simm.s32 $0x108;
	s8 =	sld [smem:$0x3FB2]  }
0x2e: {  	s3 =	simm.s32 @!p0 $0x1082;
	s9 =	sld [smem:$0x3FB3]  }
0x2f: {  	lr =	sadd.s32 s0, s3;
	s0 =	sld [smem:$0x3FAA]  }
0x30: {  	s3 =	sld [smem:$0x3FAD]  }
0x31: {  	[smem:$0x3FB6] =	sst s10  }
0x32: {  	s10 =	sld [smem:$0x3FB4];
	_ =	sdelay $0x3  }
0x33: {  	p0 =	seq.s32 s10, $0x1;
	s10 =	sld [smem:$0x3FB6];
	_ =	sdelay $0x3  }
0x34: {  	[smem:$0x3FB6] =	sst s10  }
0x35: {  	s10 =	sld [smem:$0x3FB5];
	_ =	sdelay $0x3  }
0x36: {  	p1 =	seq.s32 s10, $0x1;
	s10 =	sld [smem:$0x3FB6];
	_ =	sdelay $0x3  }
0x37: {  	[smem:$0x3FB6] =	sst s10  }
0x38: {  	s10 =	sld [smem:$0x3FB7]  }
0x39: {  	_ = 	snop;
	(pc) =	sbr.ind lr, $3  }
0x3a: {  	_ = 	snop  }
0x3b: {  	_ = 	snop  }
0x3c: {  	p2 =	seq.s32 s10, $0x1;
	s10 =	sld [smem:$0x3FB6]  }
0x3d: {  	_ =	shalt  }
0x3e: {  	_ =	shalt  }
0x3f: {  	_ =	shalt  }
0x40: {  	_ =	shalt  }
0x41: {  	_ =	shalt  }
0x42: {  	_ =	shalt  }
0x43: {  	_ =	shalt  }
0x44: {  	_ =	shalt  }
0x45: {  	_ =	shalt  }
0x46: {  	_ =	shalt  }
0x47: {  	_ =	shalt  }
0x48: {  	_ =	shalt  }
0x49: {  	_ =	shalt  }
0x4a: {  	_ =	shalt  }
0x4b: {  	_ =	shalt  }
0x4c: {  	_ =	shalt  }
0x4d: {  	_ =	shalt  }
0x4e: {  	_ =	shalt  }
0x4f: {  	_ =	shalt  }
0x50: {  	_ =	shalt  }
0x51: {  	_ =	shalt  }
0x52: {  	_ =	shalt  }
0x53: {  	_ =	shalt  }
0x54: {  	_ =	shalt  }
0x55: {  	_ =	shalt  }
0x56: {  	_ =	shalt  }
0x57: {  	_ =	shalt  }
0x58: {  	_ =	shalt  }
0x59: {  	_ =	shalt  }
0x5a: {  	_ =	shalt  }
0x5b: {  	_ =	shalt  }
0x5c: {  	_ =	shalt  }
0x5d: {  	_ =	shalt  }
0x5e: {  	_ =	shalt  }
0x5f: {  	_ =	shalt  }
0x60: {  	_ =	shalt  }
0x61: {  	_ =	shalt  }
0x62: {  	_ =	shalt  }
0x63: {  	_ =	shalt  }
0x64: {  	_ =	shalt  }
0x65: {  	_ =	shalt  }
0x66: {  	_ =	shalt  }
0x67: {  	_ =	shalt  }
0x68: {  	_ =	shalt  }
0x69: {  	_ =	shalt  }
0x6a: {  	_ =	shalt  }
0x6b: {  	_ =	shalt  }
0x6c: {  	_ =	shalt  }
0x6d: {  	_ =	shalt  }
0x6e: {  	_ =	shalt  }
0x6f: {  	_ =	shalt  }
0x70: {  	_ =	shalt  }
0x71: {  	_ =	shalt  }
0x72: {  	_ =	shalt  }
0x73: {  	_ =	shalt  }
0x74: {  	_ =	shalt  }
0x75: {  	_ =	shalt  }
0x76: {  	_ =	shalt  }
0x77: {  	_ =	shalt  }
0x78: {  	_ =	shalt  }
0x79: {  	_ =	shalt  }
0x7a: {  	_ =	shalt  }
0x7b: {  	_ =	shalt  }
0x7c: {  	_ =	shalt  }
0x7d: {  	_ =	shalt  }
0x7e: {  	_ =	shalt  }
0x7f: {  	_ =	shalt  }
0x80: {  	_ =	shalt  }
0x81: {  	_ =	shalt  }
0x82: {  	_ =	shalt  }
0x83: {  	_ =	shalt  }
0x84: {  	_ =	shalt  }
0x85: {  	_ =	shalt  }
0x86: {  	_ =	shalt  }
0x87: {  	_ =	shalt  }
.Lfunc_end0:
.L_simem_size_0:
called_computation_lowered:
.L_overlay_start_0:
0x88: {  	s2 =	sld [smem:$0x3FD9]  }
0x89: {  	s3 =	sld [smem:$0x3FFE];
	_ =	sdelay $0x1  }
0x8a: {  	s1 =	srdreg.scid  }
0x8b: {  	s0 =	sand.u32 $0x1, s1  }
0x8c: {  	s17 =	sshll.u32 s0, $0xA;
	s2 =	sadd.s32 s3, s2  }
0x8d: {  	s2 =	sadd.s32 s2, s17  }
0x8e: {  	[smem:$0x3FC2] =	sst s2  }
0x8f: {  	_ = 	snop  }
0x90: {  	s2 =	sld [smem:$0x3FD0];
	(tm) =	ssettm $0x1  }
0x91: {  	s18 =	sld [smem:$0x3FFB];
	_ =	sdelay $0x3  }
0x92: {  	_ =	strace s18  }
0x93: {  	s3 =	sld [smem:$0x3FFC];
	_ =	sdelay $0x3  }
0x94: {  	_ =	strace s3  }
0x95: {  	s3 =	sld [smem:$0x3FFD];
	_ =	sdelay $0x3  }
0x96: {  	_ =	strace s3  }
0x97: {  	_ =	strace $0x8FFFFFFF  }
0x98: {  	s19 =	sld [smem:$0x3FDB];
	_ =	sdelay $0x1  }
0x99: {  	s4 =	simm.s32 $_scs_section_size  }
0x9a: {  	s5 =	simm.s32 $_size__tile_overlayer_lowered;
	s6 =	simm.s32 $_tile_overlayer_lowered  }
0x9b: {  	s22 =	simm.s32 $0x1BFF;
	s21 =	sshll.u32 s6, $0x1;
	s3 =	sadd.s32 s4, s19  }
0x9c: {  	s7 =	simm.s32 $0x0;
	s20 =	sshll.u32 s5, $0x1;
	s5 =	sadd.s32 s21, s3  }
0x9d: {  	[timem:s7], [sflag:s22] =	dma.local [hbm:s5], s20  }
0x9e: {  	_ =	swait.ge [sflag:s22], s20  }
0x9f: {  	s4 =	ssub.s32 $0x0, s20;
	[sflag:s22] =	ssyncset.done $0x0  }
0xa0: {  	[sflag:s22] =	ssyncadd.s32 s4;
	_ =	sdelay $0x1  }
0xa1: {  	s23 =	simm.s32 $0x1B8B  }
0xa2: {  	_ =	swait.ge [sflag:s23], $0x1  }
0xa3: {  	[sflag:s23] =	ssyncset.done $0x0  }
0xa4: {  	s25 =	simm.s32 $0x1B8E;
	s24 =	sld [smem:$0x3FFE];
	[sflag:s23] =	ssyncadd.s32 $0xFFFFFFFF  }
0xa5: {  	s26 =	simm.s32 $execute0_lowered;
	[smem:$0x3FD2] =	sst s25  }
0xa6: {  	s5 =	sshll.u32 s26, $0x1;
	_ =	strace $0x80000046;
	[dreg:$0x1] =	wrdreg $0xFFFFFFFF  }
0xa7: {  	s28 =	simm.s32 $_size_execute0_lowered;
	s3 =	sadd.s32 s3, s5;
	[dreg:$0x0] =	wrdreg $0x0  }
0xa8: {  	s5 =	sshll.u32 s28, $0x1;
	[dreg:$0x2] =	wrdreg s3  }
0xa9: {  	[dreg:$0x3] =	wrdreg s5  }
0xaa: {  	[dreg:$0x4] =	wrdreg $0xC0  }
0xab: {  	_ =	task [dreg:s7], $0x5FFFF  }
0xac: {  	[dreg:$0x1] =	wrdreg $0xFFFFFFFF  }
0xad: {  	[dreg:$0x0] =	wrdreg $0x60  }
0xae: {  	[dreg:$0x2] =	wrdreg s24  }
0xaf: {  	[dreg:$0x3] =	wrdreg s2  }
0xb0: {  	[dreg:$0x4] =	wrdreg $0x59000  }
0xb1: {  	[dreg:$0x5] =	wrdreg $0x9  }
0xb2: {  	_ =	task.clear_ibuf [dreg:s7], $0x6FFFF;
	_ =	strace $0x90000046  }
0xb3: {  	s29 =	simm.s32 $0x9;
	_ =	strace $0x80000048  }
0xb4: {  	_ =	swait.ge [sflag:s29], $0x1  }
0xb5: {  	[sflag:s29] =	ssyncadd.s32 $0xFFFFFFFF  }
0xb6: {  	_ =	strace $0x90000048  }
0xb7: {  	_ =	sfence  }
0xb8: {  	s30 =	sld [smem:$0x0];
	_ =	sdelay $0x2  }
0xb9: {  	s31 =	sshll.u32 s1, $0xD;
	s1 =	sshrl.u32 s1, $0x2  }
0xba: {  	s3 =	sand.u32 $0x4000, s31;
	s1 =	sadd.s32 s1, s30  }
0xbb: {  	s0 =	sor.u32 s3, s0;
	s1 =	sshll.u32 s1, $0x11  }
0xbc: {  	s0 =	sor.u32 s1, s0  }
0xbd: {  	s0 =	sadd.s32 $0x8F2B, s0  }
0xbe: {  	[sflag:s0] =	ssyncadd.remote.s32 $0x1  }
0xbf: {  	_ =	sfence.sel $0xFFFF  }
0xc0: {  	[dreg:$0x0] =	wrdreg $0xFFFFFFFF;
	(pc) =	sbr.abs _section_cstart, $3  }
0xc1: {  	[dreg:$0x1] =	wrdreg $0xFFFFFFFF  }
0xc2: {  	_ =	task.clear_ibuf [dreg:s7], $0x2FFFF;
	_ =	strace $0x9FFFFFFF  }
0xc3: {  	(tm) =	ssettm $0x7FFFFFFF  }
tec
execute0_lowered:
.L_overlay_start_1:
0x0: {  	(tag) =	ssettag $0x1  }
0x1: {  	s5 =	rddreg [dreg:$0x0]  }
0x2: {  	s8 =	rddreg [dreg:$0x1]  }
0x3: {  	s2 =	rddreg [dreg:$0x2]  }
0x4: {  	s0 =	rddreg [dreg:$0x3]  }
0x5: {  	s3 =	simm.s32 $0x0;
	s1 =	stileid.u32;
	s4 =	srdreg.scid  }
0x6: {  	s14 =	simm.s32 $0x80;
	s15 =	simm.s32 $0x0;
	s6 =	smul.u32 $0xA20, s1  }
0x7: {  	[smem:$0x7FF] =	sst s3;
	s7 =	sand.u32 $0x1, s4;
	s10 =	smul.u32 $0x2780, s1  }
0x8: {  	s4 =	sadd.s32 $0xB800, s5;
	s30 =	sshll.u32 s1, $0x6;
	s12 =	smul.u32 $0x27800, s7  }
0x9: {  	_ =	strace $0x80000047;
	s9 =	ssub.s32 $0x2, s7;
	s31 =	smul.u32 $0xA200, s7  }
0xa: {  	s11 =	sadd.s32 s6, s5;
	s29 =	sshrl.u32 s9, $0x1;
	s5 =	sadd.s32 $0xBE00, s5  }
0xb: {  	s13 =	sadd.s32 s10, s2;
	s6 =	sor.u32 $0x1C01, s30;
	s9 =	ssub.s32 s9, s29  }
0xc: {  	s10 =	sadd.s32 s10, s12;
	s7 =	sadd.s32 $0x1600, s11;
	s11 =	sshrl.u32 s13, $0x3  }
0xd: {  	s12 =	simm.s32 $0x1;
	s13 =	simm.s32 $0x5100;
	s10 =	sshrl.u32 s10, $0x3  }
0xe: {  	s9 =	smax.u32 s9, $0x1;
	s8 =	sadd.s32 s8, s10;
	s10 =	sshrl.u32 s31, $0x2  }
.LBB2_1:
0xf: {  	[spmem:s11], [sflag:s6] =	dma.local [hbm:s4], $0x4F0  }
0x10: {  	_ =	swait.ge [sflag:s12], $0x4F0  }
0x11: {  	[sflag:s12] =	ssyncset.done $0x0  }
0x12: {  	[sflag:s12] =	ssyncadd.s32 $0xFFFFFB10  }
0x13: {  	[tilespmem:s3], [sflag:$0x1] =	stream.linear.gather [hbm4b:s7+s3], $0x5100, $0x38;
	[tilespmem:$0x8080] =	vst v63  }
0x14: {  	_ =	swait.ge [sflag:s12], $0x5100  }
0x15: {  	[sflag:s12] =	ssyncset.done $0x0  }
0x16: {  	[sflag:s12] =	ssyncadd.s32 $0xFFFFAF00  }
0x17: {  	[tilespmem:s13], [sflag:$0x1] =	stream.linear.gather [hbm4b:s5+s3], $0x800, $0x38;
	[tilespmem:$0x8080] =	vst v63  }
0x18: {  	_ =	swait.ge [sflag:s12], $0x800  }
0x19: {  	[sflag:s12] =	ssyncset.done $0x0  }
0x1a: {  	[sflag:s12] =	ssyncadd.s32 $0xFFFFF800  }
0x1b: {  	s16 =	sadd.s32 $0x0, s10;
	[bflag:$0x0] =	sbarrier.arrive $0xFFFF  }
0x1c: {  	[spmem:s2] =	stream.indirect.scatter.add.f32 [tilespmem:s13], [sflag:$0x1], $0x10, s16, s14, $0xb8;
	[tilespmem:$0x8080] =	vst v63  }
0x1d: {  	s16 =	simm.s32 $0x200;
	_ =	swait.ge [sflag:s12], $0x800  }
.LBB2_2:
0x1e: {  	s17 =	sshra.s32 s16, $0x2;
	[sflag:s12] =	ssyncset.done $0x0;
	p0 =	sne.s32 s16, $0xA000  }
.Ltmp0:
0x1f: {  	s17 =	sadd.s32 s17, s10;
	[sflag:s12] =	ssyncadd.s32 $0xFFFFF800;
	(pc) =	sbr.rel @p0 .LBB2_2-.Ltmp0, $3  }
0x20: {  	[spmem:s2] =	stream.indirect.scatter.add.f32 [tilespmem:s13], [sflag:$0x1], $0x10, s17, s14, $0xb8;
	[tilespmem:$0x8080] =	vst v63  }
0x21: {  	s16 =	sadd.s32 $0x200, s16;
	_ =	sdelay $0x1  }
0x22: {  	_ =	swait.ge [sflag:s12], $0x800  }
0x23: {  	[sflag:s12] =	ssyncset.done $0x0;
	s15 =	sadd.s32 $0x1, s15  }
0x24: {  	[sflag:s12] =	ssyncadd.s32 $0xFFFFF800;
	p0 =	sne.s32 s15, s9  }
.Ltmp1:
0x25: {  	[bflag:$0x0] =	sbarrier.arrive $0xFFFF;
	(pc) =	sbr.rel @p0 .LBB2_1-.Ltmp1, $4  }
0x26: {  	[hbm:s8], [sflag:s6] =	dma.local [spmem:s11], $0x4F0  }
0x27: {  	_ =	swait.ge [sflag:s12], $0x4F0  }
0x28: {  	[sflag:s12] =	ssyncset.done $0x0  }
0x29: {  	[sflag:s12] =	ssyncadd.s32 $0xFFFFFB10  }
0x2a: {  	_ =	sfence.sel $0x180000  }
0x2b: {  	[bflag:$0x0] =	sbarrier.arrive $0xFFFF  }
0x2c: {  	p0 =	sne.s32 s1, $0x0;
	_ =	strace $0x90000047  }
0x2d: {  	s0 =	sadd.s32 @!p0 $0x100000, s0;
	[bflag:$0x2] =	sbarrier.arrive $0xFFFF  }
0x2e: {  	[sflag:s0] =	ssyncadd.tile.s32 @!p0 $0x1;
	_ =	shalt  }
.Lfunc_end2:
_tile_overlayer_lowered:
.L_overlay_start_2:
0x2f: {  	(tag) =	ssettag $0x2  }
0x30: {  	s0 =	rddreg [dreg:$0x0];
	s2 =	stileid.u32  }
0x31: {  	s1 =	rddreg [dreg:$0x1];
	p0 =	sne.s32 s2, $0x0  }
0x32: {  	s3 =	rddreg [dreg:$0x2];
	[bflag:$0x3] =	sbarrier.arrive $0xFFFF;
	s2 =	simm.s32 @!p0 $0x1C01  }
0x33: {  	[timem:s3], [sflag:s2] =	dma.local @!p0 [hbm:s0], s1  }
0x34: {  	s0 =	simm.s32 @!p0 $0x1  }
0x35: {  	_ =	swait.ge @!p0 [sflag:s0], s1  }
0x36: {  	s1 =	ssub.s32 @!p0 $0x0, s1;
	[sflag:s0] =	ssyncset.done @!p0 $0x0  }
0x37: {  	[sflag:s0] =	ssyncadd.s32 @!p0 s1  }
0x38: {  	[bflag:$0x3] =	sbarrier.arrive $0xFFFF  }
0x39: {  	_ =	shalt  }

</sc_bundles>
